<compile_context>
chip_gen: v7x
topology: tpu7x:2x2x1
jax: 0.10.2.dev20260603
libtpu: 0.0.44.dev20260713+nightly
codegen_flags: <defaults>
</compile_context>

<pallas_src>
import functools

import jax
import jax.numpy as jnp
from jax import lax
from jax.experimental import pallas as pl
from jax.experimental.pallas import tpu as pltpu
from jax.experimental.pallas import tpu_sc as plsc

B = 16384
D = 64
N_ROWS = 100000
NC = 2
NS = 16
NW = NC * NS
BPW = B // NW
CHUNK = 128
NCHUNK = BPW // CHUNK


def _sc_gather(idx_2d, tablep):
    mesh = plsc.VectorSubcoreMesh(core_axis_name="c", subcore_axis_name="s")

    @functools.partial(
        pl.kernel,
        out_type=jax.ShapeDtypeStruct((B, 2 * D), jnp.float32),
        mesh=mesh,
        scratch_types=[
            pltpu.VMEM((NCHUNK, CHUNK), jnp.int32),
            pltpu.VMEM((BPW, 2 * D), jnp.float32),
            pltpu.SemaphoreType.DMA,
        ],
        compiler_params=pltpu.CompilerParams(use_tc_tiling_on_sc=True),
    )
    def k(t_hbm, i_hbm, o_hbm, i_v, r_v, sem):
        wid = lax.axis_index("s") * NC + lax.axis_index("c")
        base = wid * BPW
        crow = wid * NCHUNK
        pltpu.sync_copy(i_hbm.at[pl.ds(crow, NCHUNK)], i_v)
        copies = []
        for j in range(NCHUNK):
            copies.append(pltpu.async_copy(
                t_hbm.at[i_v.at[j]], r_v.at[pl.ds(j * CHUNK, CHUNK)], sem))
        for c in copies:
            c.wait()
        pltpu.sync_copy(r_v, o_hbm.at[pl.ds(base, BPW)])

    return k(tablep, idx_2d)


TBLK = 1024
TGRID = 49
SPLIT = TGRID * TBLK
NPACK = SPLIT


def _tc_detile_body(xa_ref, xb_ref, o_ref):
    o_ref[:, :D] = xa_ref[...].T
    o_ref[:, D:] = xb_ref[...].T


def _tc_detile_pack(tt):
    return pl.pallas_call(
        _tc_detile_body,
        grid=(TGRID,),
        in_specs=[
            pl.BlockSpec((D, TBLK), lambda i: (0, i)),
            pl.BlockSpec((D, TBLK), lambda i: (0, i + TGRID)),
        ],
        out_specs=pl.BlockSpec((TBLK, 2 * D), lambda i: (i, 0)),
        out_shape=jax.ShapeDtypeStruct((NPACK, 2 * D), jnp.float32),
    )(tt, tt)


def _select_half(xp, par):
    m = (par[:, None] > 0).astype(jnp.float32)
    return xp[:, :D] * (1.0 - m) + xp[:, D:] * m


def _tc_mlp_body(x1_ref, x2_ref, p1_ref, p2_ref, w1_ref, b1_ref, w2_ref,
                 b2_ref, out_ref):
    x1 = _select_half(x1_ref[...], p1_ref[...])
    x2 = _select_half(x2_ref[...], p2_ref[...])
    n1 = jnp.sqrt(jnp.sum(x1 * x1, axis=1, keepdims=True))
    n2 = jnp.sqrt(jnp.sum(x2 * x2, axis=1, keepdims=True))
    xn = jnp.concatenate(
        [x1 / jnp.maximum(n1, 1e-12), x2 / jnp.maximum(n2, 1e-12)], axis=1)
    h = lax.dot_general(xn, w1_ref[...], (((1,), (1,)), ((), ())),
                        preferred_element_type=jnp.float32)
    h = jnp.maximum(h + b1_ref[...][None, :], 0.0)
    out = jnp.sum(h * w2_ref[...], axis=1, keepdims=True)
    out_ref[...] = jax.nn.sigmoid(out + b2_ref[0])


def _tc_mlp(x1, x2, par1, par2, W1, b1, W2, b2):
    blk = 2048
    grid = (B // blk,)
    return pl.pallas_call(
        _tc_mlp_body,
        grid=grid,
        in_specs=[
            pl.BlockSpec((blk, 2 * D), lambda i: (i, 0)),
            pl.BlockSpec((blk, 2 * D), lambda i: (i, 0)),
            pl.BlockSpec((blk,), lambda i: (i,)),
            pl.BlockSpec((blk,), lambda i: (i,)),
            pl.BlockSpec((D, 2 * D), lambda i: (0, 0)),
            pl.BlockSpec((D,), lambda i: (0,)),
            pl.BlockSpec((1, D), lambda i: (0, 0)),
            pl.BlockSpec(memory_space=pltpu.SMEM),
        ],
        out_specs=pl.BlockSpec((blk, 1), lambda i: (i, 0)),
        out_shape=jax.ShapeDtypeStruct((B, 1), jnp.float32),
    )(x1, x2, par1, par2, W1, b1, W2, b2)


def kernel(user_ids, item_ids, session_idx, action_type_item_idx,
           user_table, item_table, item_table2, W1, b1, W2, b2):
    del user_ids, session_idx, user_table
    idx1 = item_ids.astype(jnp.int32)
    idx2 = action_type_item_idx.astype(jnp.int32)
    par1 = (idx1 >= SPLIT).astype(jnp.int32)
    par2 = (idx2 >= SPLIT).astype(jnp.int32)
    i1p = (idx1 - par1 * SPLIT).reshape(B // CHUNK, CHUNK)
    i2p = (idx2 - par2 * SPLIT).reshape(B // CHUNK, CHUNK)
    t1p = _tc_detile_pack(item_table.T)
    x1 = _sc_gather(i1p, t1p)
    t2p = _tc_detile_pack(item_table2.T)
    x2 = _sc_gather(i2p, t2p)
    return _tc_mlp(x1, x2, par1, par2, W1, b1, W2, b2)

# --- scband reference (transcript-rebuilt; emitter-appended) ---
"""Pipeline reference for scband-test-model-11312943858269 (READ-ONLY COPY).

The authoritative reference and input builder live on the scoring server;
editing this copy changes nothing except your own understanding.
"""

import jax, jax.numpy as jnp
import numpy as np

B = 16384
N_USERS = 100000
N_ITEMS = 100000
D = 64


def _l2_normalize(x, eps=1e-12):
    # faithful to F.normalize(x, p=2, dim=1): x / max(||x||, eps)
    norm = jnp.linalg.norm(x, ord=2, axis=1, keepdims=True)
    return x / jnp.maximum(norm, eps)


def setup_inputs(seed: int = 0) -> dict:
    key = jax.random.key(seed)
    ks = jax.random.split(key, 10)
    user_ids = jax.random.randint(ks[0], (B,), 0, N_USERS, dtype=jnp.int64 if jax.config.jax_enable_x64 else jnp.int32)
    item_ids = jax.random.randint(ks[1], (B,), 0, N_ITEMS)
    session_idx = jax.random.randint(ks[2], (B,), 0, B)
    action_type_item_idx = jax.random.randint(ks[3], (B,), 0, N_ITEMS)
    # embedding tables (lecun-normal-like init)
    user_table = jax.random.normal(ks[4], (N_USERS, D), dtype=jnp.float32) / np.sqrt(D)
    item_table = jax.random.normal(ks[5], (N_ITEMS, D), dtype=jnp.float32) / np.sqrt(D)
    item_table2 = jax.random.normal(ks[6], (N_ITEMS, D), dtype=jnp.float32) / np.sqrt(D)
    num_dense = 2 * D
    W1 = jax.random.normal(ks[7], (num_dense // 2, num_dense), dtype=jnp.float32) / np.sqrt(num_dense)
    b1 = jnp.full((num_dense // 2,), 0.1, dtype=jnp.float32)
    W2 = jax.random.normal(ks[8], (1, num_dense // 2), dtype=jnp.float32) / np.sqrt(num_dense // 2)
    b2 = jnp.full((1,), 0.1, dtype=jnp.float32)
    return {
        "user_ids": user_ids,
        "item_ids": item_ids,
        "session_idx": session_idx,
        "action_type_item_idx": action_type_item_idx,
        "user_table": user_table,
        "item_table": item_table,
        "item_table2": item_table2,
        "W1": W1,
        "b1": b1,
        "W2": W2,
        "b2": b2,
    }


def reference(user_ids, item_ids, session_idx, action_type_item_idx, user_table, item_table, item_table2, W1, b1, W2, b2):
    # gathers (SparseCore-friendly embedding lookups)
    user_emb = jnp.take(user_table, user_ids, axis=0)  # computed but unused, faithful to torch forward
    item_emb = _l2_normalize(jnp.take(item_table, item_ids, axis=0))
    item_pred_emb = _l2_normalize(jnp.take(item_table2, action_type_item_idx, axis=0))
    x = jnp.concatenate((item_emb, item_pred_emb), axis=1)
    h = jnp.maximum(x @ W1.T + b1, 0.0)
    out = h @ W2.T + b2
    return jax.nn.sigmoid(out)

if __name__ == "__main__":
    import jax
    _d = setup_inputs()
    print(jax.jit(kernel)(*tuple(_d.values())))

</pallas_src>

<mosaic_0001>
#map = affine_map<(d0, d1) -> (0, 0)>
module attributes {stable_mosaic.version = 14 : i64} {
  func.func @k(%arg0: i32, %arg1: i32, %arg2: memref<50176x128xf32, #tpu.memory_space<hbm>>, %arg3: memref<128x128xi32, #tpu.memory_space<hbm>>, %arg4: memref<16384x128xf32, #tpu.memory_space<hbm>>, %arg5: memref<4x128xi32, #tpu.memory_space<vmem>>, %arg6: memref<512x128xf32, #tpu.memory_space<vmem>>, %arg7: memref<!tpu.dma_semaphore, #tpu.memory_space<semaphore_mem>>) attributes {dimension_semantics = [#tpu.dimension_semantics<core_parallel>, #tpu.dimension_semantics<subcore_parallel>], iteration_bounds = array<i64: 2, 16>, scalar_prefetch = 0 : i64, scratch_operands = 3 : i64, tpu.core_type = #tpu.core_type<sc_vector_subcore>, window_params = [{transform_indices = #map}, {transform_indices = #map}, {transform_indices = #map}]} {
    %mul3A = arith.constant 2 : i32
    %mul3A_0 = arith.muli %arg1, %mul3A : i32
    %add3A = arith.addi %mul3A_0, %arg0 : i32
    %mul3A_1 = arith.constant 512 : i32
    %mul3A_2 = arith.muli %add3A, %mul3A_1 : i32
    %mul3A_3 = arith.constant 4 : i32
    %mul3A_4 = arith.muli %add3A, %mul3A_3 : i32
    "tpu.region"() ({
      %run_scoped3A = tpu.sem_alloc : memref<!tpu.dma_semaphore, #tpu.memory_space<semaphore_mem>>
      %dma_start3A_83 = arith.constant 0 : i32
      %dma_start3A_84 = tpu.memref_slice %arg3[%mul3A_4, %dma_start3A_83] : memref<128x128xi32, #tpu.memory_space<hbm>> -> memref<4x128xi32, #tpu.memory_space<hbm>>
      %dma_start3A_85 = arith.constant 0 : i32
      %dma_start3A_86 = tpu.memref_slice %arg3[%mul3A_4, %dma_start3A_85] : memref<128x128xi32, #tpu.memory_space<hbm>> -> memref<4x128xi32, #tpu.memory_space<hbm>>
      tpu.enqueue_dma source(%dma_start3A_86 : memref<4x128xi32, #tpu.memory_space<hbm>>) target(%arg5 : memref<4x128xi32, #tpu.memory_space<vmem>>) target_semaphore(%run_scoped3A : memref<!tpu.dma_semaphore, #tpu.memory_space<semaphore_mem>>)
      %dma_wait3A_87 = arith.constant 0 : i32
      %dma_wait3A_88 = tpu.memref_slice %arg3[%mul3A_4, %dma_wait3A_87] : memref<128x128xi32, #tpu.memory_space<hbm>> -> memref<4x128xi32, #tpu.memory_space<hbm>>
      %dma_wait3A_89 = arith.constant 0 : i32
      %dma_wait3A_90 = tpu.memref_slice %arg3[%mul3A_4, %dma_wait3A_89] : memref<128x128xi32, #tpu.memory_space<hbm>> -> memref<4x128xi32, #tpu.memory_space<hbm>>
      tpu.wait_dma2 semaphore(%run_scoped3A : memref<!tpu.dma_semaphore, #tpu.memory_space<semaphore_mem>>) src(%dma_wait3A_90 : memref<4x128xi32, #tpu.memory_space<hbm>>) dst(%arg5 : memref<4x128xi32, #tpu.memory_space<vmem>>)
      tpu.yield
    }) : () -> ()
    %dma_start3A = arith.constant 0 : i32
    %dma_start3A_5 = arith.constant 0 : i32
    %dma_start3A_6 = arith.constant 0 : i32
    %dma_start3A_7 = tpu.memref_slice %arg6[%dma_start3A_5, %dma_start3A_6] : memref<512x128xf32, #tpu.memory_space<vmem>> -> memref<128x128xf32, #tpu.memory_space<vmem>>
    %dma_start3A_8 = arith.constant 0 : i32
    %dma_start3A_9 = tpu.memref_slice %arg5[%dma_start3A, %dma_start3A_8] : memref<4x128xi32, #tpu.memory_space<vmem>> -> memref<1x128xi32, #tpu.memory_space<vmem>>
    %dma_start3A_10 = tpu.memref_squeeze %dma_start3A_9 : memref<1x128xi32, #tpu.memory_space<vmem>> -> memref<128xi32, #tpu.memory_space<vmem>>
    %dma_start3A_11 = arith.constant 0 : i32
    %dma_start3A_12 = arith.constant 0 : i32
    %dma_start3A_13 = tpu.memref_slice %arg2[%dma_start3A_11, %dma_start3A_12] : memref<50176x128xf32, #tpu.memory_space<hbm>> -> memref<50176x128xf32, #tpu.memory_space<hbm>>
    tpu.enqueue_indirect_dma source(%dma_start3A_13 : memref<50176x128xf32, #tpu.memory_space<hbm>>) target(%dma_start3A_7 : memref<128x128xf32, #tpu.memory_space<vmem>>) offsets(%dma_start3A_10 : memref<128xi32, #tpu.memory_space<vmem>>) semaphore(%arg7 : memref<!tpu.dma_semaphore, #tpu.memory_space<semaphore_mem>>)
    %dma_start3A_14 = arith.constant 1 : i32
    %dma_start3A_15 = arith.constant 128 : i32
    %dma_start3A_16 = arith.constant 0 : i32
    %dma_start3A_17 = tpu.memref_slice %arg6[%dma_start3A_15, %dma_start3A_16] : memref<512x128xf32, #tpu.memory_space<vmem>> -> memref<128x128xf32, #tpu.memory_space<vmem>>
    %dma_start3A_18 = arith.constant 0 : i32
    %dma_start3A_19 = tpu.memref_slice %arg5[%dma_start3A_14, %dma_start3A_18] : memref<4x128xi32, #tpu.memory_space<vmem>> -> memref<1x128xi32, #tpu.memory_space<vmem>>
    %dma_start3A_20 = tpu.memref_squeeze %dma_start3A_19 : memref<1x128xi32, #tpu.memory_space<vmem>> -> memref<128xi32, #tpu.memory_space<vmem>>
    %dma_start3A_21 = arith.constant 0 : i32
    %dma_start3A_22 = arith.constant 0 : i32
    %dma_start3A_23 = tpu.memref_slice %arg2[%dma_start3A_21, %dma_start3A_22] : memref<50176x128xf32, #tpu.memory_space<hbm>> -> memref<50176x128xf32, #tpu.memory_space<hbm>>
    tpu.enqueue_indirect_dma source(%dma_start3A_23 : memref<50176x128xf32, #tpu.memory_space<hbm>>) target(%dma_start3A_17 : memref<128x128xf32, #tpu.memory_space<vmem>>) offsets(%dma_start3A_20 : memref<128xi32, #tpu.memory_space<vmem>>) semaphore(%arg7 : memref<!tpu.dma_semaphore, #tpu.memory_space<semaphore_mem>>)
    %dma_start3A_24 = arith.constant 2 : i32
    %dma_start3A_25 = arith.constant 256 : i32
    %dma_start3A_26 = arith.constant 0 : i32
    %dma_start3A_27 = tpu.memref_slice %arg6[%dma_start3A_25, %dma_start3A_26] : memref<512x128xf32, #tpu.memory_space<vmem>> -> memref<128x128xf32, #tpu.memory_space<vmem>>
    %dma_start3A_28 = arith.constant 0 : i32
    %dma_start3A_29 = tpu.memref_slice %arg5[%dma_start3A_24, %dma_start3A_28] : memref<4x128xi32, #tpu.memory_space<vmem>> -> memref<1x128xi32, #tpu.memory_space<vmem>>
    %dma_start3A_30 = tpu.memref_squeeze %dma_start3A_29 : memref<1x128xi32, #tpu.memory_space<vmem>> -> memref<128xi32, #tpu.memory_space<vmem>>
    %dma_start3A_31 = arith.constant 0 : i32
    %dma_start3A_32 = arith.constant 0 : i32
    %dma_start3A_33 = tpu.memref_slice %arg2[%dma_start3A_31, %dma_start3A_32] : memref<50176x128xf32, #tpu.memory_space<hbm>> -> memref<50176x128xf32, #tpu.memory_space<hbm>>
    tpu.enqueue_indirect_dma source(%dma_start3A_33 : memref<50176x128xf32, #tpu.memory_space<hbm>>) target(%dma_start3A_27 : memref<128x128xf32, #tpu.memory_space<vmem>>) offsets(%dma_start3A_30 : memref<128xi32, #tpu.memory_space<vmem>>) semaphore(%arg7 : memref<!tpu.dma_semaphore, #tpu.memory_space<semaphore_mem>>)
    %dma_start3A_34 = arith.constant 3 : i32
    %dma_start3A_35 = arith.constant 384 : i32
    %dma_start3A_36 = arith.constant 0 : i32
    %dma_start3A_37 = tpu.memref_slice %arg6[%dma_start3A_35, %dma_start3A_36] : memref<512x128xf32, #tpu.memory_space<vmem>> -> memref<128x128xf32, #tpu.memory_space<vmem>>
    %dma_start3A_38 = arith.constant 0 : i32
    %dma_start3A_39 = tpu.memref_slice %arg5[%dma_start3A_34, %dma_start3A_38] : memref<4x128xi32, #tpu.memory_space<vmem>> -> memref<1x128xi32, #tpu.memory_space<vmem>>
    %dma_start3A_40 = tpu.memref_squeeze %dma_start3A_39 : memref<1x128xi32, #tpu.memory_space<vmem>> -> memref<128xi32, #tpu.memory_space<vmem>>
    %dma_start3A_41 = arith.constant 0 : i32
    %dma_start3A_42 = arith.constant 0 : i32
    %dma_start3A_43 = tpu.memref_slice %arg2[%dma_start3A_41, %dma_start3A_42] : memref<50176x128xf32, #tpu.memory_space<hbm>> -> memref<50176x128xf32, #tpu.memory_space<hbm>>
    tpu.enqueue_indirect_dma source(%dma_start3A_43 : memref<50176x128xf32, #tpu.memory_space<hbm>>) target(%dma_start3A_37 : memref<128x128xf32, #tpu.memory_space<vmem>>) offsets(%dma_start3A_40 : memref<128xi32, #tpu.memory_space<vmem>>) semaphore(%arg7 : memref<!tpu.dma_semaphore, #tpu.memory_space<semaphore_mem>>)
    %dma_wait3A = arith.constant 0 : i32
    %dma_wait3A_44 = arith.constant 0 : i32
    %dma_wait3A_45 = arith.constant 0 : i32
    %dma_wait3A_46 = tpu.memref_slice %arg6[%dma_wait3A_44, %dma_wait3A_45] : memref<512x128xf32, #tpu.memory_space<vmem>> -> memref<128x128xf32, #tpu.memory_space<vmem>>
    %dma_wait3A_47 = arith.constant 0 : i32
    %dma_wait3A_48 = tpu.memref_slice %arg5[%dma_wait3A, %dma_wait3A_47] : memref<4x128xi32, #tpu.memory_space<vmem>> -> memref<1x128xi32, #tpu.memory_space<vmem>>
    %dma_wait3A_49 = tpu.memref_squeeze %dma_wait3A_48 : memref<1x128xi32, #tpu.memory_space<vmem>> -> memref<128xi32, #tpu.memory_space<vmem>>
    %dma_wait3A_50 = arith.constant 0 : i32
    %dma_wait3A_51 = arith.constant 0 : i32
    %dma_wait3A_52 = tpu.memref_slice %arg2[%dma_wait3A_50, %dma_wait3A_51] : memref<50176x128xf32, #tpu.memory_space<hbm>> -> memref<50176x128xf32, #tpu.memory_space<hbm>>
    tpu.wait_indirect_dma semaphore(%arg7 : memref<!tpu.dma_semaphore, #tpu.memory_space<semaphore_mem>>) src(%dma_wait3A_52 : memref<50176x128xf32, #tpu.memory_space<hbm>>) dst(%dma_wait3A_46 : memref<128x128xf32, #tpu.memory_space<vmem>>)
    %dma_wait3A_53 = arith.constant 1 : i32
    %dma_wait3A_54 = arith.constant 128 : i32
    %dma_wait3A_55 = arith.constant 0 : i32
    %dma_wait3A_56 = tpu.memref_slice %arg6[%dma_wait3A_54, %dma_wait3A_55] : memref<512x128xf32, #tpu.memory_space<vmem>> -> memref<128x128xf32, #tpu.memory_space<vmem>>
    %dma_wait3A_57 = arith.constant 0 : i32
    %dma_wait3A_58 = tpu.memref_slice %arg5[%dma_wait3A_53, %dma_wait3A_57] : memref<4x128xi32, #tpu.memory_space<vmem>> -> memref<1x128xi32, #tpu.memory_space<vmem>>
    %dma_wait3A_59 = tpu.memref_squeeze %dma_wait3A_58 : memref<1x128xi32, #tpu.memory_space<vmem>> -> memref<128xi32, #tpu.memory_space<vmem>>
    %dma_wait3A_60 = arith.constant 0 : i32
    %dma_wait3A_61 = arith.constant 0 : i32
    %dma_wait3A_62 = tpu.memref_slice %arg2[%dma_wait3A_60, %dma_wait3A_61] : memref<50176x128xf32, #tpu.memory_space<hbm>> -> memref<50176x128xf32, #tpu.memory_space<hbm>>
    tpu.wait_indirect_dma semaphore(%arg7 : memref<!tpu.dma_semaphore, #tpu.memory_space<semaphore_mem>>) src(%dma_wait3A_62 : memref<50176x128xf32, #tpu.memory_space<hbm>>) dst(%dma_wait3A_56 : memref<128x128xf32, #tpu.memory_space<vmem>>)
    %dma_wait3A_63 = arith.constant 2 : i32
    %dma_wait3A_64 = arith.constant 256 : i32
    %dma_wait3A_65 = arith.constant 0 : i32
    %dma_wait3A_66 = tpu.memref_slice %arg6[%dma_wait3A_64, %dma_wait3A_65] : memref<512x128xf32, #tpu.memory_space<vmem>> -> memref<128x128xf32, #tpu.memory_space<vmem>>
    %dma_wait3A_67 = arith.constant 0 : i32
    %dma_wait3A_68 = tpu.memref_slice %arg5[%dma_wait3A_63, %dma_wait3A_67] : memref<4x128xi32, #tpu.memory_space<vmem>> -> memref<1x128xi32, #tpu.memory_space<vmem>>
    %dma_wait3A_69 = tpu.memref_squeeze %dma_wait3A_68 : memref<1x128xi32, #tpu.memory_space<vmem>> -> memref<128xi32, #tpu.memory_space<vmem>>
    %dma_wait3A_70 = arith.constant 0 : i32
    %dma_wait3A_71 = arith.constant 0 : i32
    %dma_wait3A_72 = tpu.memref_slice %arg2[%dma_wait3A_70, %dma_wait3A_71] : memref<50176x128xf32, #tpu.memory_space<hbm>> -> memref<50176x128xf32, #tpu.memory_space<hbm>>
    tpu.wait_indirect_dma semaphore(%arg7 : memref<!tpu.dma_semaphore, #tpu.memory_space<semaphore_mem>>) src(%dma_wait3A_72 : memref<50176x128xf32, #tpu.memory_space<hbm>>) dst(%dma_wait3A_66 : memref<128x128xf32, #tpu.memory_space<vmem>>)
    %dma_wait3A_73 = arith.constant 3 : i32
    %dma_wait3A_74 = arith.constant 384 : i32
    %dma_wait3A_75 = arith.constant 0 : i32
    %dma_wait3A_76 = tpu.memref_slice %arg6[%dma_wait3A_74, %dma_wait3A_75] : memref<512x128xf32, #tpu.memory_space<vmem>> -> memref<128x128xf32, #tpu.memory_space<vmem>>
    %dma_wait3A_77 = arith.constant 0 : i32
    %dma_wait3A_78 = tpu.memref_slice %arg5[%dma_wait3A_73, %dma_wait3A_77] : memref<4x128xi32, #tpu.memory_space<vmem>> -> memref<1x128xi32, #tpu.memory_space<vmem>>
    %dma_wait3A_79 = tpu.memref_squeeze %dma_wait3A_78 : memref<1x128xi32, #tpu.memory_space<vmem>> -> memref<128xi32, #tpu.memory_space<vmem>>
    %dma_wait3A_80 = arith.constant 0 : i32
    %dma_wait3A_81 = arith.constant 0 : i32
    %dma_wait3A_82 = tpu.memref_slice %arg2[%dma_wait3A_80, %dma_wait3A_81] : memref<50176x128xf32, #tpu.memory_space<hbm>> -> memref<50176x128xf32, #tpu.memory_space<hbm>>
    tpu.wait_indirect_dma semaphore(%arg7 : memref<!tpu.dma_semaphore, #tpu.memory_space<semaphore_mem>>) src(%dma_wait3A_82 : memref<50176x128xf32, #tpu.memory_space<hbm>>) dst(%dma_wait3A_76 : memref<128x128xf32, #tpu.memory_space<vmem>>)
    "tpu.region"() ({
      %run_scoped3A = tpu.sem_alloc : memref<!tpu.dma_semaphore, #tpu.memory_space<semaphore_mem>>
      %dma_start3A_83 = arith.constant 0 : i32
      %dma_start3A_84 = tpu.memref_slice %arg4[%mul3A_2, %dma_start3A_83] : memref<16384x128xf32, #tpu.memory_space<hbm>> -> memref<512x128xf32, #tpu.memory_space<hbm>>
      %dma_start3A_85 = arith.constant 0 : i32
      %dma_start3A_86 = tpu.memref_slice %arg4[%mul3A_2, %dma_start3A_85] : memref<16384x128xf32, #tpu.memory_space<hbm>> -> memref<512x128xf32, #tpu.memory_space<hbm>>
      tpu.enqueue_dma source(%arg6 : memref<512x128xf32, #tpu.memory_space<vmem>>) target(%dma_start3A_86 : memref<512x128xf32, #tpu.memory_space<hbm>>) target_semaphore(%run_scoped3A : memref<!tpu.dma_semaphore, #tpu.memory_space<semaphore_mem>>)
      %dma_wait3A_87 = arith.constant 0 : i32
      %dma_wait3A_88 = tpu.memref_slice %arg4[%mul3A_2, %dma_wait3A_87] : memref<16384x128xf32, #tpu.memory_space<hbm>> -> memref<512x128xf32, #tpu.memory_space<hbm>>
      %dma_wait3A_89 = arith.constant 0 : i32
      %dma_wait3A_90 = tpu.memref_slice %arg4[%mul3A_2, %dma_wait3A_89] : memref<16384x128xf32, #tpu.memory_space<hbm>> -> memref<512x128xf32, #tpu.memory_space<hbm>>
      tpu.wait_dma2 semaphore(%run_scoped3A : memref<!tpu.dma_semaphore, #tpu.memory_space<semaphore_mem>>) src(%arg6 : memref<512x128xf32, #tpu.memory_space<vmem>>) dst(%dma_wait3A_90 : memref<512x128xf32, #tpu.memory_space<hbm>>)
      tpu.yield
    }) : () -> ()
    return
  }
}

#map = affine_map<(d0, d1) -> (0, 0)>
module attributes {stable_mosaic.version = 14 : i64} {
  func.func @k(%arg0: i32, %arg1: i32, %arg2: memref<50176x128xf32, #tpu.memory_space<hbm>>, %arg3: memref<128x128xi32, #tpu.memory_space<hbm>>, %arg4: memref<16384x128xf32, #tpu.memory_space<hbm>>, %arg5: memref<4x128xi32, #tpu.memory_space<vmem>>, %arg6: memref<512x128xf32, #tpu.memory_space<vmem>>, %arg7: memref<!tpu.dma_semaphore, #tpu.memory_space<semaphore_mem>>) attributes {dimension_semantics = [#tpu.dimension_semantics<core_parallel>, #tpu.dimension_semantics<subcore_parallel>], iteration_bounds = array<i64: 2, 16>, scalar_prefetch = 0 : i64, scratch_operands = 3 : i64, tpu.core_type = #tpu.core_type<sc_vector_subcore>, window_params = [{transform_indices = #map}, {transform_indices = #map}, {transform_indices = #map}]} {
    %mul3A = arith.constant 2 : i32
    %mul3A_0 = arith.muli %arg1, %mul3A : i32
    %add3A = arith.addi %mul3A_0, %arg0 : i32
    %mul3A_1 = arith.constant 512 : i32
    %mul3A_2 = arith.muli %add3A, %mul3A_1 : i32
    %mul3A_3 = arith.constant 4 : i32
    %mul3A_4 = arith.muli %add3A, %mul3A_3 : i32
    "tpu.region"() ({
      %run_scoped3A = tpu.sem_alloc : memref<!tpu.dma_semaphore, #tpu.memory_space<semaphore_mem>>
      %dma_start3A_83 = arith.constant 0 : i32
      %dma_start3A_84 = tpu.memref_slice %arg3[%mul3A_4, %dma_start3A_83] : memref<128x128xi32, #tpu.memory_space<hbm>> -> memref<4x128xi32, #tpu.memory_space<hbm>>
      %dma_start3A_85 = arith.constant 0 : i32
      %dma_start3A_86 = tpu.memref_slice %arg3[%mul3A_4, %dma_start3A_85] : memref<128x128xi32, #tpu.memory_space<hbm>> -> memref<4x128xi32, #tpu.memory_space<hbm>>
      tpu.enqueue_dma source(%dma_start3A_86 : memref<4x128xi32, #tpu.memory_space<hbm>>) target(%arg5 : memref<4x128xi32, #tpu.memory_space<vmem>>) target_semaphore(%run_scoped3A : memref<!tpu.dma_semaphore, #tpu.memory_space<semaphore_mem>>)
      %dma_wait3A_87 = arith.constant 0 : i32
      %dma_wait3A_88 = tpu.memref_slice %arg3[%mul3A_4, %dma_wait3A_87] : memref<128x128xi32, #tpu.memory_space<hbm>> -> memref<4x128xi32, #tpu.memory_space<hbm>>
      %dma_wait3A_89 = arith.constant 0 : i32
      %dma_wait3A_90 = tpu.memref_slice %arg3[%mul3A_4, %dma_wait3A_89] : memref<128x128xi32, #tpu.memory_space<hbm>> -> memref<4x128xi32, #tpu.memory_space<hbm>>
      tpu.wait_dma2 semaphore(%run_scoped3A : memref<!tpu.dma_semaphore, #tpu.memory_space<semaphore_mem>>) src(%dma_wait3A_90 : memref<4x128xi32, #tpu.memory_space<hbm>>) dst(%arg5 : memref<4x128xi32, #tpu.memory_space<vmem>>)
      tpu.yield
    }) : () -> ()
    %dma_start3A = arith.constant 0 : i32
    %dma_start3A_5 = arith.constant 0 : i32
    %dma_start3A_6 = arith.constant 0 : i32
    %dma_start3A_7 = tpu.memref_slice %arg6[%dma_start3A_5, %dma_start3A_6] : memref<512x128xf32, #tpu.memory_space<vmem>> -> memref<128x128xf32, #tpu.memory_space<vmem>>
    %dma_start3A_8 = arith.constant 0 : i32
    %dma_start3A_9 = tpu.memref_slice %arg5[%dma_start3A, %dma_start3A_8] : memref<4x128xi32, #tpu.memory_space<vmem>> -> memref<1x128xi32, #tpu.memory_space<vmem>>
    %dma_start3A_10 = tpu.memref_squeeze %dma_start3A_9 : memref<1x128xi32, #tpu.memory_space<vmem>> -> memref<128xi32, #tpu.memory_space<vmem>>
    %dma_start3A_11 = arith.constant 0 : i32
    %dma_start3A_12 = arith.constant 0 : i32
    %dma_start3A_13 = tpu.memref_slice %arg2[%dma_start3A_11, %dma_start3A_12] : memref<50176x128xf32, #tpu.memory_space<hbm>> -> memref<50176x128xf32, #tpu.memory_space<hbm>>
    tpu.enqueue_indirect_dma source(%dma_start3A_13 : memref<50176x128xf32, #tpu.memory_space<hbm>>) target(%dma_start3A_7 : memref<128x128xf32, #tpu.memory_space<vmem>>) offsets(%dma_start3A_10 : memref<128xi32, #tpu.memory_space<vmem>>) semaphore(%arg7 : memref<!tpu.dma_semaphore, #tpu.memory_space<semaphore_mem>>)
    %dma_start3A_14 = arith.constant 1 : i32
    %dma_start3A_15 = arith.constant 128 : i32
    %dma_start3A_16 = arith.constant 0 : i32
    %dma_start3A_17 = tpu.memref_slice %arg6[%dma_start3A_15, %dma_start3A_16] : memref<512x128xf32, #tpu.memory_space<vmem>> -> memref<128x128xf32, #tpu.memory_space<vmem>>
    %dma_start3A_18 = arith.constant 0 : i32
    %dma_start3A_19 = tpu.memref_slice %arg5[%dma_start3A_14, %dma_start3A_18] : memref<4x128xi32, #tpu.memory_space<vmem>> -> memref<1x128xi32, #tpu.memory_space<vmem>>
    %dma_start3A_20 = tpu.memref_squeeze %dma_start3A_19 : memref<1x128xi32, #tpu.memory_space<vmem>> -> memref<128xi32, #tpu.memory_space<vmem>>
    %dma_start3A_21 = arith.constant 0 : i32
    %dma_start3A_22 = arith.constant 0 : i32
    %dma_start3A_23 = tpu.memref_slice %arg2[%dma_start3A_21, %dma_start3A_22] : memref<50176x128xf32, #tpu.memory_space<hbm>> -> memref<50176x128xf32, #tpu.memory_space<hbm>>
    tpu.enqueue_indirect_dma source(%dma_start3A_23 : memref<50176x128xf32, #tpu.memory_space<hbm>>) target(%dma_start3A_17 : memref<128x128xf32, #tpu.memory_space<vmem>>) offsets(%dma_start3A_20 : memref<128xi32, #tpu.memory_space<vmem>>) semaphore(%arg7 : memref<!tpu.dma_semaphore, #tpu.memory_space<semaphore_mem>>)
    %dma_start3A_24 = arith.constant 2 : i32
    %dma_start3A_25 = arith.constant 256 : i32
    %dma_start3A_26 = arith.constant 0 : i32
    %dma_start3A_27 = tpu.memref_slice %arg6[%dma_start3A_25, %dma_start3A_26] : memref<512x128xf32, #tpu.memory_space<vmem>> -> memref<128x128xf32, #tpu.memory_space<vmem>>
    %dma_start3A_28 = arith.constant 0 : i32
    %dma_start3A_29 = tpu.memref_slice %arg5[%dma_start3A_24, %dma_start3A_28] : memref<4x128xi32, #tpu.memory_space<vmem>> -> memref<1x128xi32, #tpu.memory_space<vmem>>
    %dma_start3A_30 = tpu.memref_squeeze %dma_start3A_29 : memref<1x128xi32, #tpu.memory_space<vmem>> -> memref<128xi32, #tpu.memory_space<vmem>>
    %dma_start3A_31 = arith.constant 0 : i32
    %dma_start3A_32 = arith.constant 0 : i32
    %dma_start3A_33 = tpu.memref_slice %arg2[%dma_start3A_31, %dma_start3A_32] : memref<50176x128xf32, #tpu.memory_space<hbm>> -> memref<50176x128xf32, #tpu.memory_space<hbm>>
    tpu.enqueue_indirect_dma source(%dma_start3A_33 : memref<50176x128xf32, #tpu.memory_space<hbm>>) target(%dma_start3A_27 : memref<128x128xf32, #tpu.memory_space<vmem>>) offsets(%dma_start3A_30 : memref<128xi32, #tpu.memory_space<vmem>>) semaphore(%arg7 : memref<!tpu.dma_semaphore, #tpu.memory_space<semaphore_mem>>)
    %dma_start3A_34 = arith.constant 3 : i32
    %dma_start3A_35 = arith.constant 384 : i32
    %dma_start3A_36 = arith.constant 0 : i32
    %dma_start3A_37 = tpu.memref_slice %arg6[%dma_start3A_35, %dma_start3A_36] : memref<512x128xf32, #tpu.memory_space<vmem>> -> memref<128x128xf32, #tpu.memory_space<vmem>>
    %dma_start3A_38 = arith.constant 0 : i32
    %dma_start3A_39 = tpu.memref_slice %arg5[%dma_start3A_34, %dma_start3A_38] : memref<4x128xi32, #tpu.memory_space<vmem>> -> memref<1x128xi32, #tpu.memory_space<vmem>>
    %dma_start3A_40 = tpu.memref_squeeze %dma_start3A_39 : memref<1x128xi32, #tpu.memory_space<vmem>> -> memref<128xi32, #tpu.memory_space<vmem>>
    %dma_start3A_41 = arith.constant 0 : i32
    %dma_start3A_42 = arith.constant 0 : i32
    %dma_start3A_43 = tpu.memref_slice %arg2[%dma_start3A_41, %dma_start3A_42] : memref<50176x128xf32, #tpu.memory_space<hbm>> -> memref<50176x128xf32, #tpu.memory_space<hbm>>
    tpu.enqueue_indirect_dma source(%dma_start3A_43 : memref<50176x128xf32, #tpu.memory_space<hbm>>) target(%dma_start3A_37 : memref<128x128xf32, #tpu.memory_space<vmem>>) offsets(%dma_start3A_40 : memref<128xi32, #tpu.memory_space<vmem>>) semaphore(%arg7 : memref<!tpu.dma_semaphore, #tpu.memory_space<semaphore_mem>>)
    %dma_wait3A = arith.constant 0 : i32
    %dma_wait3A_44 = arith.constant 0 : i32
    %dma_wait3A_45 = arith.constant 0 : i32
    %dma_wait3A_46 = tpu.memref_slice %arg6[%dma_wait3A_44, %dma_wait3A_45] : memref<512x128xf32, #tpu.memory_space<vmem>> -> memref<128x128xf32, #tpu.memory_space<vmem>>
    %dma_wait3A_47 = arith.constant 0 : i32
    %dma_wait3A_48 = tpu.memref_slice %arg5[%dma_wait3A, %dma_wait3A_47] : memref<4x128xi32, #tpu.memory_space<vmem>> -> memref<1x128xi32, #tpu.memory_space<vmem>>
    %dma_wait3A_49 = tpu.memref_squeeze %dma_wait3A_48 : memref<1x128xi32, #tpu.memory_space<vmem>> -> memref<128xi32, #tpu.memory_space<vmem>>
    %dma_wait3A_50 = arith.constant 0 : i32
    %dma_wait3A_51 = arith.constant 0 : i32
    %dma_wait3A_52 = tpu.memref_slice %arg2[%dma_wait3A_50, %dma_wait3A_51] : memref<50176x128xf32, #tpu.memory_space<hbm>> -> memref<50176x128xf32, #tpu.memory_space<hbm>>
    tpu.wait_indirect_dma semaphore(%arg7 : memref<!tpu.dma_semaphore, #tpu.memory_space<semaphore_mem>>) src(%dma_wait3A_52 : memref<50176x128xf32, #tpu.memory_space<hbm>>) dst(%dma_wait3A_46 : memref<128x128xf32, #tpu.memory_space<vmem>>)
    %dma_wait3A_53 = arith.constant 1 : i32
    %dma_wait3A_54 = arith.constant 128 : i32
    %dma_wait3A_55 = arith.constant 0 : i32
    %dma_wait3A_56 = tpu.memref_slice %arg6[%dma_wait3A_54, %dma_wait3A_55] : memref<512x128xf32, #tpu.memory_space<vmem>> -> memref<128x128xf32, #tpu.memory_space<vmem>>
    %dma_wait3A_57 = arith.constant 0 : i32
    %dma_wait3A_58 = tpu.memref_slice %arg5[%dma_wait3A_53, %dma_wait3A_57] : memref<4x128xi32, #tpu.memory_space<vmem>> -> memref<1x128xi32, #tpu.memory_space<vmem>>
    %dma_wait3A_59 = tpu.memref_squeeze %dma_wait3A_58 : memref<1x128xi32, #tpu.memory_space<vmem>> -> memref<128xi32, #tpu.memory_space<vmem>>
    %dma_wait3A_60 = arith.constant 0 : i32
    %dma_wait3A_61 = arith.constant 0 : i32
    %dma_wait3A_62 = tpu.memref_slice %arg2[%dma_wait3A_60, %dma_wait3A_61] : memref<50176x128xf32, #tpu.memory_space<hbm>> -> memref<50176x128xf32, #tpu.memory_space<hbm>>
    tpu.wait_indirect_dma semaphore(%arg7 : memref<!tpu.dma_semaphore, #tpu.memory_space<semaphore_mem>>) src(%dma_wait3A_62 : memref<50176x128xf32, #tpu.memory_space<hbm>>) dst(%dma_wait3A_56 : memref<128x128xf32, #tpu.memory_space<vmem>>)
    %dma_wait3A_63 = arith.constant 2 : i32
    %dma_wait3A_64 = arith.constant 256 : i32
    %dma_wait3A_65 = arith.constant 0 : i32
    %dma_wait3A_66 = tpu.memref_slice %arg6[%dma_wait3A_64, %dma_wait3A_65] : memref<512x128xf32, #tpu.memory_space<vmem>> -> memref<128x128xf32, #tpu.memory_space<vmem>>
    %dma_wait3A_67 = arith.constant 0 : i32
    %dma_wait3A_68 = tpu.memref_slice %arg5[%dma_wait3A_63, %dma_wait3A_67] : memref<4x128xi32, #tpu.memory_space<vmem>> -> memref<1x128xi32, #tpu.memory_space<vmem>>
    %dma_wait3A_69 = tpu.memref_squeeze %dma_wait3A_68 : memref<1x128xi32, #tpu.memory_space<vmem>> -> memref<128xi32, #tpu.memory_space<vmem>>
    %dma_wait3A_70 = arith.constant 0 : i32
    %dma_wait3A_71 = arith.constant 0 : i32
    %dma_wait3A_72 = tpu.memref_slice %arg2[%dma_wait3A_70, %dma_wait3A_71] : memref<50176x128xf32, #tpu.memory_space<hbm>> -> memref<50176x128xf32, #tpu.memory_space<hbm>>
    tpu.wait_indirect_dma semaphore(%arg7 : memref<!tpu.dma_semaphore, #tpu.memory_space<semaphore_mem>>) src(%dma_wait3A_72 : memref<50176x128xf32, #tpu.memory_space<hbm>>) dst(%dma_wait3A_66 : memref<128x128xf32, #tpu.memory_space<vmem>>)
    %dma_wait3A_73 = arith.constant 3 : i32
    %dma_wait3A_74 = arith.constant 384 : i32
    %dma_wait3A_75 = arith.constant 0 : i32
    %dma_wait3A_76 = tpu.memref_slice %arg6[%dma_wait3A_74, %dma_wait3A_75] : memref<512x128xf32, #tpu.memory_space<vmem>> -> memref<128x128xf32, #tpu.memory_space<vmem>>
    %dma_wait3A_77 = arith.constant 0 : i32
    %dma_wait3A_78 = tpu.memref_slice %arg5[%dma_wait3A_73, %dma_wait3A_77] : memref<4x128xi32, #tpu.memory_space<vmem>> -> memref<1x128xi32, #tpu.memory_space<vmem>>
    %dma_wait3A_79 = tpu.memref_squeeze %dma_wait3A_78 : memref<1x128xi32, #tpu.memory_space<vmem>> -> memref<128xi32, #tpu.memory_space<vmem>>
    %dma_wait3A_80 = arith.constant 0 : i32
    %dma_wait3A_81 = arith.constant 0 : i32
    %dma_wait3A_82 = tpu.memref_slice %arg2[%dma_wait3A_80, %dma_wait3A_81] : memref<50176x128xf32, #tpu.memory_space<hbm>> -> memref<50176x128xf32, #tpu.memory_space<hbm>>
    tpu.wait_indirect_dma semaphore(%arg7 : memref<!tpu.dma_semaphore, #tpu.memory_space<semaphore_mem>>) src(%dma_wait3A_82 : memref<50176x128xf32, #tpu.memory_space<hbm>>) dst(%dma_wait3A_76 : memref<128x128xf32, #tpu.memory_space<vmem>>)
    "tpu.region"() ({
      %run_scoped3A = tpu.sem_alloc : memref<!tpu.dma_semaphore, #tpu.memory_space<semaphore_mem>>
      %dma_start3A_83 = arith.constant 0 : i32
      %dma_start3A_84 = tpu.memref_slice %arg4[%mul3A_2, %dma_start3A_83] : memref<16384x128xf32, #tpu.memory_space<hbm>> -> memref<512x128xf32, #tpu.memory_space<hbm>>
      %dma_start3A_85 = arith.constant 0 : i32
      %dma_start3A_86 = tpu.memref_slice %arg4[%mul3A_2, %dma_start3A_85] : memref<16384x128xf32, #tpu.memory_space<hbm>> -> memref<512x128xf32, #tpu.memory_space<hbm>>
      tpu.enqueue_dma source(%arg6 : memref<512x128xf32, #tpu.memory_space<vmem>>) target(%dma_start3A_86 : memref<512x128xf32, #tpu.memory_space<hbm>>) target_semaphore(%run_scoped3A : memref<!tpu.dma_semaphore, #tpu.memory_space<semaphore_mem>>)
      %dma_wait3A_87 = arith.constant 0 : i32
      %dma_wait3A_88 = tpu.memref_slice %arg4[%mul3A_2, %dma_wait3A_87] : memref<16384x128xf32, #tpu.memory_space<hbm>> -> memref<512x128xf32, #tpu.memory_space<hbm>>
      %dma_wait3A_89 = arith.constant 0 : i32
      %dma_wait3A_90 = tpu.memref_slice %arg4[%mul3A_2, %dma_wait3A_89] : memref<16384x128xf32, #tpu.memory_space<hbm>> -> memref<512x128xf32, #tpu.memory_space<hbm>>
      tpu.wait_dma2 semaphore(%run_scoped3A : memref<!tpu.dma_semaphore, #tpu.memory_space<semaphore_mem>>) src(%arg6 : memref<512x128xf32, #tpu.memory_space<vmem>>) dst(%dma_wait3A_90 : memref<512x128xf32, #tpu.memory_space<hbm>>)
      tpu.yield
    }) : () -> ()
    return
  }
}

module attributes {stable_mosaic.version = 14 : i64} {
  func.func @_tc_mlp_body(%arg0: i32, %arg1: memref<2048x128xf32, #tpu.memory_space<vmem>>, %arg2: memref<2048x128xf32, #tpu.memory_space<vmem>>, %arg3: memref<2048xi32, #tpu.memory_space<vmem>>, %arg4: memref<2048xi32, #tpu.memory_space<vmem>>, %arg5: memref<64x128xf32, #tpu.memory_space<vmem>>, %arg6: memref<64xf32, #tpu.memory_space<vmem>>, %arg7: memref<1x64xf32, #tpu.memory_space<vmem>>, %arg8: memref<1xf32, #tpu.memory_space<smem>>, %arg9: memref<2048x1xf32, #tpu.memory_space<vmem>>) attributes {dimension_semantics = [#tpu.dimension_semantics<arbitrary>], iteration_bounds = array<i64: 8>, scalar_prefetch = 0 : i64, scratch_operands = 0 : i64, tpu.core_type = #tpu.core_type<tc>, window_params = [{transform_indices = @transform_0, window_bounds = array<i64: 2048, 128>}, {transform_indices = @transform_1, window_bounds = array<i64: 2048, 128>}, {transform_indices = @transform_2, window_bounds = array<i64: 2048>}, {transform_indices = @transform_3, window_bounds = array<i64: 2048>}, {pipeline_mode = #tpu.pipeline_mode<synchronous>, transform_indices = @transform_4, window_bounds = array<i64: 64, 128>}, {pipeline_mode = #tpu.pipeline_mode<synchronous>, transform_indices = @transform_5, window_bounds = array<i64: 64>}, {pipeline_mode = #tpu.pipeline_mode<synchronous>, transform_indices = @transform_6, window_bounds = array<i64: 1, 64>}, {transform_indices = @transform_7, window_bounds = array<i64: 1>}, {transform_indices = @transform_8, window_bounds = array<i64: 2048, 1>}]} {
    %get3A = arith.constant 0 : index
    %get3A_0 = arith.constant 0 : index
    %get3A_1 = vector.load %arg1[%get3A, %get3A_0] : memref<2048x128xf32, #tpu.memory_space<vmem>>, vector<2048x128xf32>
    %get3A_2 = arith.constant 0 : index
    %get3A_3 = vector.load %arg3[%get3A_2] : memref<2048xi32, #tpu.memory_space<vmem>>, vector<2048xi32>
    %broadcast_in_dim3A = vector.shape_cast %get3A_3 : vector<2048xi32> to vector<2048x1xi32>
    %gt3A = arith.constant 0 : i32
    %gt3A_4 = vector.broadcast %gt3A : i32 to vector<2048x1xi32>
    %gt3A_5 = arith.cmpi sgt, %broadcast_in_dim3A, %gt3A_4 : vector<2048x1xi32>
    %convert_element_type3A = arith.extui %gt3A_5 : vector<2048x1xi1> to vector<2048x1xi32>
    %convert_element_type3A_6 = arith.sitofp %convert_element_type3A : vector<2048x1xi32> to vector<2048x1xf32>
    %slice3A = vector.extract_strided_slice %get3A_1 {offsets = [0, 0], sizes = [2048, 64], strides = [1, 1]} : vector<2048x128xf32> to vector<2048x64xf32>
    %sub3A = arith.constant 1.000000e+00 : f32
    %sub3A_7 = vector.broadcast %sub3A : f32 to vector<2048x1xf32>
    %sub3A_8 = arith.subf %sub3A_7, %convert_element_type3A_6 : vector<2048x1xf32>
    %mul3A = vector.broadcast %sub3A_8 : vector<2048x1xf32> to vector<2048x64xf32>
    %mul3A_9 = arith.mulf %slice3A, %mul3A : vector<2048x64xf32>
    %slice3A_10 = vector.extract_strided_slice %get3A_1 {offsets = [0, 64], sizes = [2048, 64], strides = [1, 1]} : vector<2048x128xf32> to vector<2048x64xf32>
    %mul3A_11 = vector.broadcast %convert_element_type3A_6 : vector<2048x1xf32> to vector<2048x64xf32>
    %mul3A_12 = arith.mulf %slice3A_10, %mul3A_11 : vector<2048x64xf32>
    %add3A = arith.addf %mul3A_9, %mul3A_12 : vector<2048x64xf32>
    %get3A_13 = arith.constant 0 : index
    %get3A_14 = arith.constant 0 : index
    %get3A_15 = vector.load %arg2[%get3A_13, %get3A_14] : memref<2048x128xf32, #tpu.memory_space<vmem>>, vector<2048x128xf32>
    %get3A_16 = arith.constant 0 : index
    %get3A_17 = vector.load %arg4[%get3A_16] : memref<2048xi32, #tpu.memory_space<vmem>>, vector<2048xi32>
    %broadcast_in_dim3A_18 = vector.shape_cast %get3A_17 : vector<2048xi32> to vector<2048x1xi32>
    %gt3A_19 = arith.constant 0 : i32
    %gt3A_20 = vector.broadcast %gt3A_19 : i32 to vector<2048x1xi32>
    %gt3A_21 = arith.cmpi sgt, %broadcast_in_dim3A_18, %gt3A_20 : vector<2048x1xi32>
    %convert_element_type3A_22 = arith.extui %gt3A_21 : vector<2048x1xi1> to vector<2048x1xi32>
    %convert_element_type3A_23 = arith.sitofp %convert_element_type3A_22 : vector<2048x1xi32> to vector<2048x1xf32>
    %slice3A_24 = vector.extract_strided_slice %get3A_15 {offsets = [0, 0], sizes = [2048, 64], strides = [1, 1]} : vector<2048x128xf32> to vector<2048x64xf32>
    %sub3A_25 = arith.constant 1.000000e+00 : f32
    %sub3A_26 = vector.broadcast %sub3A_25 : f32 to vector<2048x1xf32>
    %sub3A_27 = arith.subf %sub3A_26, %convert_element_type3A_23 : vector<2048x1xf32>
    %mul3A_28 = vector.broadcast %sub3A_27 : vector<2048x1xf32> to vector<2048x64xf32>
    %mul3A_29 = arith.mulf %slice3A_24, %mul3A_28 : vector<2048x64xf32>
    %slice3A_30 = vector.extract_strided_slice %get3A_15 {offsets = [0, 64], sizes = [2048, 64], strides = [1, 1]} : vector<2048x128xf32> to vector<2048x64xf32>
    %mul3A_31 = vector.broadcast %convert_element_type3A_23 : vector<2048x1xf32> to vector<2048x64xf32>
    %mul3A_32 = arith.mulf %slice3A_30, %mul3A_31 : vector<2048x64xf32>
    %add3A_33 = arith.addf %mul3A_29, %mul3A_32 : vector<2048x64xf32>
    %mul3A_34 = arith.mulf %add3A, %add3A : vector<2048x64xf32>
    %reduce_sum3A = arith.constant dense<0.000000e+00> : vector<2048xf32>
    %reduce_sum3A_35 = vector.multi_reduction <add>, %mul3A_34, %reduce_sum3A [1] : vector<2048x64xf32> to vector<2048xf32>
    %broadcast_in_dim3A_36 = vector.shape_cast %reduce_sum3A_35 : vector<2048xf32> to vector<2048x1xf32>
    %sqrt3A = math.sqrt %broadcast_in_dim3A_36 : vector<2048x1xf32>
    %mul3A_37 = arith.mulf %add3A_33, %add3A_33 : vector<2048x64xf32>
    %reduce_sum3A_38 = arith.constant dense<0.000000e+00> : vector<2048xf32>
    %reduce_sum3A_39 = vector.multi_reduction <add>, %mul3A_37, %reduce_sum3A_38 [1] : vector<2048x64xf32> to vector<2048xf32>
    %broadcast_in_dim3A_40 = vector.shape_cast %reduce_sum3A_39 : vector<2048xf32> to vector<2048x1xf32>
    %sqrt3A_41 = math.sqrt %broadcast_in_dim3A_40 : vector<2048x1xf32>
    %max3A = arith.constant 9.99999996E-13 : f32
    %max3A_42 = vector.broadcast %max3A : f32 to vector<2048x1xf32>
    %max3A_43 = arith.maximumf %sqrt3A, %max3A_42 : vector<2048x1xf32>
    %div3A = vector.broadcast %max3A_43 : vector<2048x1xf32> to vector<2048x64xf32>
    %div3A_44 = arith.divf %add3A, %div3A : vector<2048x64xf32>
    %max3A_45 = arith.constant 9.99999996E-13 : f32
    %max3A_46 = vector.broadcast %max3A_45 : f32 to vector<2048x1xf32>
    %max3A_47 = arith.maximumf %sqrt3A_41, %max3A_46 : vector<2048x1xf32>
    %div3A_48 = vector.broadcast %max3A_47 : vector<2048x1xf32> to vector<2048x64xf32>
    %div3A_49 = arith.divf %add3A_33, %div3A_48 : vector<2048x64xf32>
    %concatenate3A = tpu.concatenate %div3A_44, %div3A_49 in 1 : vector<2048x64xf32>, vector<2048x64xf32> -> vector<2048x128xf32>
    %get3A_50 = arith.constant 0 : index
    %get3A_51 = arith.constant 0 : index
    %get3A_52 = vector.load %arg5[%get3A_50, %get3A_51] : memref<64x128xf32, #tpu.memory_space<vmem>>, vector<64x128xf32>
    %dot_general3A = arith.constant dense<0.000000e+00> : vector<2048x64xf32>
    %dot_general3A_53 = tpu.matmul %concatenate3A, %get3A_52, %dot_general3A {dimension_numbers = #tpu.dot_dimension_numbers<[1], [1], [0], [0], [0, 0, 1, 0], [], []>, transpose_lhs_hint = false} : vector<2048x128xf32>, vector<64x128xf32>, vector<2048x64xf32> -> vector<2048x64xf32>
    %get3A_54 = arith.constant 0 : index
    %get3A_55 = vector.load %arg6[%get3A_54] : memref<64xf32, #tpu.memory_space<vmem>>, vector<64xf32>
    %broadcast_in_dim3A_56 = vector.shape_cast %get3A_55 : vector<64xf32> to vector<1x64xf32>
    %add3A_57 = vector.broadcast %broadcast_in_dim3A_56 : vector<1x64xf32> to vector<2048x64xf32>
    %add3A_58 = arith.addf %dot_general3A_53, %add3A_57 : vector<2048x64xf32>
    %max3A_59 = arith.constant 0.000000e+00 : f32
    %max3A_60 = vector.broadcast %max3A_59 : f32 to vector<2048x64xf32>
    %max3A_61 = arith.maximumf %add3A_58, %max3A_60 : vector<2048x64xf32>
    %get3A_62 = arith.constant 0 : index
    %get3A_63 = arith.constant 0 : index
    %get3A_64 = vector.load %arg7[%get3A_62, %get3A_63] : memref<1x64xf32, #tpu.memory_space<vmem>>, vector<1x64xf32>
    %mul3A_65 = vector.broadcast %get3A_64 : vector<1x64xf32> to vector<2048x64xf32>
    %mul3A_66 = arith.mulf %max3A_61, %mul3A_65 : vector<2048x64xf32>
    %reduce_sum3A_67 = arith.constant dense<0.000000e+00> : vector<2048xf32>
    %reduce_sum3A_68 = vector.multi_reduction <add>, %mul3A_66, %reduce_sum3A_67 [1] : vector<2048x64xf32> to vector<2048xf32>
    %broadcast_in_dim3A_69 = vector.shape_cast %reduce_sum3A_68 : vector<2048xf32> to vector<2048x1xf32>
    %get3A_70 = arith.constant 0 : index
    %get3A_71 = memref.load %arg8[%get3A_70] : memref<1xf32, #tpu.memory_space<smem>>
    %add3A_72 = vector.broadcast %get3A_71 : f32 to vector<2048x1xf32>
    %add3A_73 = arith.addf %broadcast_in_dim3A_69, %add3A_72 : vector<2048x1xf32>
    %logistic3A = arith.negf %add3A_73 : vector<2048x1xf32>
    %logistic3A_74 = math.exp %logistic3A : vector<2048x1xf32>
    %logistic3A_75 = arith.constant 1.000000e+00 : f32
    %logistic3A_76 = vector.broadcast %logistic3A_75 : f32 to vector<2048x1xf32>
    %logistic3A_77 = arith.addf %logistic3A_76, %logistic3A_74 : vector<2048x1xf32>
    %logistic3A_78 = arith.divf %logistic3A_76, %logistic3A_77 : vector<2048x1xf32>
    %swap3A = arith.constant 0 : index
    %swap3A_79 = arith.constant 0 : index
    %swap3A_80 = vector.load %arg9[%swap3A, %swap3A_79] : memref<2048x1xf32, #tpu.memory_space<vmem>>, vector<2048x1xf32>
    tpu.vector_store %arg9[%swap3A, %swap3A_79], %logistic3A_78 {strides = array<i32>} : memref<2048x1xf32, #tpu.memory_space<vmem>>, vector<2048x1xf32>,
    return
  }
  func.func @transform_0(%arg0: i32) -> (i32, i32) {
    %c0_i32 = arith.constant 0 : i32
    %c0_i32_0 = arith.constant 0 : i32
    return %arg0, %c0_i32 : i32, i32
  }
  func.func @transform_1(%arg0: i32) -> (i32, i32) {
    %c0_i32 = arith.constant 0 : i32
    %c0_i32_0 = arith.constant 0 : i32
    return %arg0, %c0_i32 : i32, i32
  }
  func.func @transform_2(%arg0: i32) -> i32 {
    %c0_i32 = arith.constant 0 : i32
    return %arg0 : i32
  }
  func.func @transform_3(%arg0: i32) -> i32 {
    %c0_i32 = arith.constant 0 : i32
    return %arg0 : i32
  }
  func.func @transform_4(%arg0: i32) -> (i32, i32) {
    %c0_i32 = arith.constant 0 : i32
    %c0_i32_0 = arith.constant 0 : i32
    %c0_i32_1 = arith.constant 0 : i32
    return %c0_i32, %c0_i32_0 : i32, i32
  }
  func.func @transform_5(%arg0: i32) -> i32 {
    %c0_i32 = arith.constant 0 : i32
    %c0_i32_0 = arith.constant 0 : i32
    return %c0_i32 : i32
  }
  func.func @transform_6(%arg0: i32) -> (i32, i32) {
    %c0_i32 = arith.constant 0 : i32
    %c0_i32_0 = arith.constant 0 : i32
    %c0_i32_1 = arith.constant 0 : i32
    return %c0_i32, %c0_i32_0 : i32, i32
  }
  func.func @transform_7(%arg0: i32) -> i32 {
    %c0_i32 = arith.constant 0 : i32
    %c0_i32_0 = arith.constant 0 : i32
    return %c0_i32 : i32
  }
  func.func @transform_8(%arg0: i32) -> (i32, i32) {
    %c0_i32 = arith.constant 0 : i32
    %c0_i32_0 = arith.constant 0 : i32
    return %arg0, %c0_i32 : i32, i32
  }
}

module attributes {stable_mosaic.version = 14 : i64} {
  func.func @_tc_detile_body(%arg0: i32, %arg1: memref<64x1024xf32, #tpu.memory_space<vmem>>, %arg2: memref<64x1024xf32, #tpu.memory_space<vmem>>, %arg3: memref<1024x128xf32, #tpu.memory_space<vmem>>) attributes {dimension_semantics = [#tpu.dimension_semantics<arbitrary>], iteration_bounds = array<i64: 49>, scalar_prefetch = 0 : i64, scratch_operands = 0 : i64, tpu.core_type = #tpu.core_type<tc>, window_params = [{transform_indices = @transform_0, window_bounds = array<i64: 64, 1024>}, {transform_indices = @transform_1, window_bounds = array<i64: 64, 1024>}, {transform_indices = @transform_2, window_bounds = array<i64: 1024, 128>}]} {
    %get3A = arith.constant 0 : index
    %get3A_0 = arith.constant 0 : index
    %get3A_1 = vector.load %arg1[%get3A, %get3A_0] : memref<64x1024xf32, #tpu.memory_space<vmem>>, vector<64x1024xf32>
    %transpose3A = tpu.transpose %get3A_1, [1, 0] : vector<64x1024xf32> -> vector<1024x64xf32>
    %swap3A = arith.constant 0 : index
    %swap3A_2 = arith.constant 0 : index
    %swap3A_3 = vector.load %arg3[%swap3A, %swap3A_2] : memref<1024x128xf32, #tpu.memory_space<vmem>>, vector<1024x64xf32>
    tpu.vector_store %arg3[%swap3A, %swap3A_2], %transpose3A {strides = array<i32>} : memref<1024x128xf32, #tpu.memory_space<vmem>>, vector<1024x64xf32>,
    %get3A_4 = arith.constant 0 : index
    %get3A_5 = arith.constant 0 : index
    %get3A_6 = vector.load %arg2[%get3A_4, %get3A_5] : memref<64x1024xf32, #tpu.memory_space<vmem>>, vector<64x1024xf32>
    %transpose3A_7 = tpu.transpose %get3A_6, [1, 0] : vector<64x1024xf32> -> vector<1024x64xf32>
    %swap3A_8 = arith.constant 0 : index
    %swap3A_9 = arith.constant 64 : index
    %swap3A_10 = vector.load %arg3[%swap3A_8, %swap3A_9] : memref<1024x128xf32, #tpu.memory_space<vmem>>, vector<1024x64xf32>
    tpu.vector_store %arg3[%swap3A_8, %swap3A_9], %transpose3A_7 {strides = array<i32>} : memref<1024x128xf32, #tpu.memory_space<vmem>>, vector<1024x64xf32>,
    return
  }
  func.func @transform_0(%arg0: i32) -> (i32, i32) {
    %c0_i32 = arith.constant 0 : i32
    %c0_i32_0 = arith.constant 0 : i32
    return %c0_i32, %arg0 : i32, i32
  }
  func.func @transform_1(%arg0: i32) -> (i32, i32) {
    %add3A = arith.constant 49 : i32
    %add3A_0 = arith.addi %arg0, %add3A : i32
    %c0_i32 = arith.constant 0 : i32
    %c0_i32_1 = arith.constant 0 : i32
    return %c0_i32, %add3A_0 : i32, i32
  }
  func.func @transform_2(%arg0: i32) -> (i32, i32) {
    %c0_i32 = arith.constant 0 : i32
    %c0_i32_0 = arith.constant 0 : i32
    return %arg0, %c0_i32 : i32, i32
  }
}

</mosaic_0001>

<sc_bundles>
// kernel: kernel.10.cloned.1.call-start
scs
__scs_entry_jumppad:
0x0: {  	(pc) =	sbr.rel $0x88, $3  }
0x1: {  	(tag) =	ssettag $0x0;
	lr =	simm.s32 $0x1  }
0x2: {  	[smem:$0x3F99] =	sst lr;
	_ =	strace $0xD0000000  }
0x3: {  	_ = 	snop  }
0x4: {  	_ = 	snop  }
0x5: {  	_ = 	snop  }
0x6: {  	_ = 	snop  }
0x7: {  	_ = 	snop  }
__scs_overlays_trampoline_lowered:
0x8: {  	[smem:$0x3FA8] =	sst s0  }
0x9: {  	[smem:$0x3FA9] =	sst s1  }
0xa: {  	[smem:$0x3FAA] =	sst s2  }
0xb: {  	[smem:$0x3FAB] =	sst s3  }
0xc: {  	[smem:$0x3FAC] =	sst s4  }
0xd: {  	[smem:$0x3FAD] =	sst s5  }
0xe: {  	[smem:$0x3FAE] =	sst s6  }
0xf: {  	[smem:$0x3FAF] =	sst s7  }
0x10: {  	[smem:$0x3FB0] =	sst s8  }
0x11: {  	[smem:$0x3FB1] =	sst s9;
	s0 =	simm.s32 @!p0 $0x0  }
0x12: {  	s1 =	sld [smem:$0x3F97];
	s0 =	simm.s32 @p0 $0x1  }
0x13: {  	[smem:$0x3FB2] =	sst s0;
	s0 =	simm.s32 @!p1 $0x0  }
0x14: {  	s2 =	sld [smem:$0x3F96];
	s0 =	simm.s32 @p1 $0x1  }
0x15: {  	[smem:$0x3FB3] =	sst s0;
	s0 =	simm.s32 @!p2 $0x0  }
0x16: {  	s3 =	sld [smem:$0x3FDB];
	s0 =	simm.s32 @p2 $0x1  }
0x17: {  	s4 =	simm.s32 $0x1BF5;
	[smem:$0x3FB5] =	sst s0  }
0x18: {  	s0 =	sld [smem:$0x3F98];
	_ =	swait.ge [sflag:s4], $0x0  }
0x19: {  	s7 =	sld [smem:$0x3F99]  }
0x1a: {  	s8 =	sadd.s32 $0xFFFFE003, lr  }
0x1b: {  	s9 =	sadd.s32 $0xFFFFFEF7, lr;
	s5 =	simm.s32 $0xFFFFFFFF;
	p2 =	slt.u32 s8, $0xFFFFF086  }
0x1c: {  	p1 =	slt.u32 s9, $0xF7A;
	s5 =	simm.s32 @!p2 $0x0  }
0x1d: {  	s5 =	simm.s32 @p1 $0x1;
	p0 =	seq.s32 s7, s2  }
0x1e: {  	s7 =	smul.u32 @!p0 $0xF7A, s2;
	p2 =	seq.s32 @!p0 s5, $0x0  }
0x1f: {  	s9 =	smul.u32 $0xF7A, s1;
	s8 =	simm.s32 @!p0 $0x1BF5;
	p2 =	por !p2, p0  }
0x20: {  	[sflag:s8] =	ssyncset.s32 @!p0 $0xFFFFF086;
	s6 =	sadd.s32 @!p0 s3, s7;
	s7 =	simm.s32 @!p0 $0x108  }
0x21: {  	s3 =	sadd.s32 s3, s9;
	s6 =	sadd.s32 @!p0 $0x88, s6;
	s7 =	simm.s32 @p2 $0x1082  }
0x22: {  	[simem:s7], [sflag:s8] =	dma.local @!p0 [hbm:s6], $0xF7A  }
0x23: {  	s9 =	sor.u32 $0xD0000000, s2;
	s6 =	simm.s32 $0x108;
	_ =	swait.ge @!p0 [sflag:s8], $0x0  }
0x24: {  	s3 =	sadd.s32 $0x88, s3;
	s6 =	simm.s32 @!p1 $0x1082;
	[sflag:s4] =	ssyncset.s32 $0xFFFFF086  }
0x25: {  	[simem:s6], [sflag:s4] =	dma.local [hbm:s3], $0xF7A  }
0x26: {  	[smem:$0x3F99] =	sst s1;
	(tag) =	ssettag s2;
	_ =	strace s9  }
0x27: {  	s1 =	sld [smem:$0x3FA9]  }
0x28: {  	s2 =	sld [smem:$0x3FAA]  }
0x29: {  	s4 =	sld [smem:$0x3FAC]  }
0x2a: {  	p0 =	seq.s32 s5, $0x0;
	s5 =	sld [smem:$0x3FAD]  }
0x2b: {  	s6 =	sld [smem:$0x3FAE]  }
0x2c: {  	s7 =	sld [smem:$0x3FAF]  }
0x2d: {  	s3 =	simm.s32 $0x108;
	s8 =	sld [smem:$0x3FB0]  }
0x2e: {  	s3 =	simm.s32 @!p0 $0x1082;
	s9 =	sld [smem:$0x3FB1]  }
0x2f: {  	lr =	sadd.s32 s0, s3;
	s0 =	sld [smem:$0x3FA8]  }
0x30: {  	s3 =	sld [smem:$0x3FAB]  }
0x31: {  	[smem:$0x3FB4] =	sst s10  }
0x32: {  	s10 =	sld [smem:$0x3FB2];
	_ =	sdelay $0x3  }
0x33: {  	p0 =	seq.s32 s10, $0x1;
	s10 =	sld [smem:$0x3FB4];
	_ =	sdelay $0x3  }
0x34: {  	[smem:$0x3FB4] =	sst s10  }
0x35: {  	s10 =	sld [smem:$0x3FB3];
	_ =	sdelay $0x3  }
0x36: {  	p1 =	seq.s32 s10, $0x1;
	s10 =	sld [smem:$0x3FB4];
	_ =	sdelay $0x3  }
0x37: {  	[smem:$0x3FB4] =	sst s10  }
0x38: {  	s10 =	sld [smem:$0x3FB5]  }
0x39: {  	_ = 	snop;
	(pc) =	sbr.ind lr, $3  }
0x3a: {  	_ = 	snop  }
0x3b: {  	_ = 	snop  }
0x3c: {  	p2 =	seq.s32 s10, $0x1;
	s10 =	sld [smem:$0x3FB4]  }
0x3d: {  	_ =	shalt  }
0x3e: {  	_ =	shalt  }
0x3f: {  	_ =	shalt  }
0x40: {  	_ =	shalt  }
0x41: {  	_ =	shalt  }
0x42: {  	_ =	shalt  }
0x43: {  	_ =	shalt  }
0x44: {  	_ =	shalt  }
0x45: {  	_ =	shalt  }
0x46: {  	_ =	shalt  }
0x47: {  	_ =	shalt  }
0x48: {  	_ =	shalt  }
0x49: {  	_ =	shalt  }
0x4a: {  	_ =	shalt  }
0x4b: {  	_ =	shalt  }
0x4c: {  	_ =	shalt  }
0x4d: {  	_ =	shalt  }
0x4e: {  	_ =	shalt  }
0x4f: {  	_ =	shalt  }
0x50: {  	_ =	shalt  }
0x51: {  	_ =	shalt  }
0x52: {  	_ =	shalt  }
0x53: {  	_ =	shalt  }
0x54: {  	_ =	shalt  }
0x55: {  	_ =	shalt  }
0x56: {  	_ =	shalt  }
0x57: {  	_ =	shalt  }
0x58: {  	_ =	shalt  }
0x59: {  	_ =	shalt  }
0x5a: {  	_ =	shalt  }
0x5b: {  	_ =	shalt  }
0x5c: {  	_ =	shalt  }
0x5d: {  	_ =	shalt  }
0x5e: {  	_ =	shalt  }
0x5f: {  	_ =	shalt  }
0x60: {  	_ =	shalt  }
0x61: {  	_ =	shalt  }
0x62: {  	_ =	shalt  }
0x63: {  	_ =	shalt  }
0x64: {  	_ =	shalt  }
0x65: {  	_ =	shalt  }
0x66: {  	_ =	shalt  }
0x67: {  	_ =	shalt  }
0x68: {  	_ =	shalt  }
0x69: {  	_ =	shalt  }
0x6a: {  	_ =	shalt  }
0x6b: {  	_ =	shalt  }
0x6c: {  	_ =	shalt  }
0x6d: {  	_ =	shalt  }
0x6e: {  	_ =	shalt  }
0x6f: {  	_ =	shalt  }
0x70: {  	_ =	shalt  }
0x71: {  	_ =	shalt  }
0x72: {  	_ =	shalt  }
0x73: {  	_ =	shalt  }
0x74: {  	_ =	shalt  }
0x75: {  	_ =	shalt  }
0x76: {  	_ =	shalt  }
0x77: {  	_ =	shalt  }
0x78: {  	_ =	shalt  }
0x79: {  	_ =	shalt  }
0x7a: {  	_ =	shalt  }
0x7b: {  	_ =	shalt  }
0x7c: {  	_ =	shalt  }
0x7d: {  	_ =	shalt  }
0x7e: {  	_ =	shalt  }
0x7f: {  	_ =	shalt  }
0x80: {  	_ =	shalt  }
0x81: {  	_ =	shalt  }
0x82: {  	_ =	shalt  }
0x83: {  	_ =	shalt  }
0x84: {  	_ =	shalt  }
0x85: {  	_ =	shalt  }
0x86: {  	_ =	shalt  }
0x87: {  	_ =	shalt  }
.Lfunc_end0:
.L_simem_size_0:
called_computation.1_lowered:
.L_overlay_start_0:
0x88: {  	s2 =	sld [smem:$0x3FD9]  }
0x89: {  	s3 =	sld [smem:$0x3FFE];
	_ =	sdelay $0x1  }
0x8a: {  	s1 =	srdreg.scid  }
0x8b: {  	s0 =	sand.u32 $0x1, s1  }
0x8c: {  	s17 =	sshll.u32 s0, $0xA;
	s2 =	sadd.s32 s3, s2  }
0x8d: {  	s2 =	sadd.s32 s2, s17  }
0x8e: {  	[smem:$0x3FC0] =	sst s2  }
0x8f: {  	_ = 	snop  }
0x90: {  	(tm) =	ssettm $0x1  }
0x91: {  	s18 =	sld [smem:$0x3FFB];
	_ =	sdelay $0x3  }
0x92: {  	_ =	strace s18  }
0x93: {  	s2 =	sld [smem:$0x3FFC];
	_ =	sdelay $0x3  }
0x94: {  	_ =	strace s2  }
0x95: {  	s2 =	sld [smem:$0x3FFD];
	_ =	sdelay $0x3  }
0x96: {  	_ =	strace s2  }
0x97: {  	_ =	strace $0x8FFFFFFF  }
0x98: {  	s19 =	sld [smem:$0x3FDB];
	_ =	sdelay $0x1  }
0x99: {  	s20 =	simm.s32 $_scs_section_size  }
0x9a: {  	s4 =	simm.s32 $_size__tile_overlayer_lowered;
	s5 =	simm.s32 $_tile_overlayer_lowered  }
0x9b: {  	s6 =	simm.s32 $0x1BFF;
	s21 =	sshll.u32 s5, $0x1;
	s3 =	sadd.s32 s20, s19  }
0x9c: {  	s22 =	simm.s32 $0x0;
	s4 =	sshll.u32 s4, $0x1;
	s5 =	sadd.s32 s21, s3  }
0x9d: {  	[timem:s22], [sflag:s6] =	dma.local [hbm:s5], s4  }
0x9e: {  	_ =	swait.ge [sflag:s6], s4  }
0x9f: {  	s4 =	ssub.s32 $0x0, s4;
	[sflag:s6] =	ssyncset.done $0x0  }
0xa0: {  	[sflag:s6] =	ssyncadd.s32 s4;
	_ =	sdelay $0x1  }
0xa1: {  	s23 =	simm.s32 $0x1B8B  }
0xa2: {  	_ =	swait.ge [sflag:s23], $0x1  }
0xa3: {  	[sflag:s23] =	ssyncset.done $0x0  }
0xa4: {  	[sflag:s23] =	ssyncadd.s32 $0xFFFFFFFF  }
0xa5: {  	s4 =	sld [smem:$0x0]  }
0xa6: {  	s5 =	sand.u32 $0xFFFFFFFE, s1  }
0xa7: {  	p0 =	sne.s32 s1, s5  }
0xa8: {  	s5 =	sshll.u32 @p0 s5, $0xE  }
0xa9: {  	s5 =	sadd.s32 @p0 $0x11B8D, s5;
	s6 =	sshll.u32 @p0 s4, $0x11  }
0xaa: {  	s5 =	sor.u32 @p0 s6, s5  }
0xab: {  	[sflag:s5] =	ssyncadd.remote.s32 @p0 $0x1;
	_ =	sdelay $0x1  }
0xac: {  	s5 =	simm.s32 @p0 $0x1B8D  }
0xad: {  	_ =	swait.eq @p0 [sflag:s5], $0x1  }
0xae: {  	[sflag:s5] =	ssyncadd.s32 @p0 $0xFFFFFFFF  }
0xaf: {  	s6 =	sshll.u32 @!p0 s1, $0xE  }
0xb0: {  	s6 =	sor.u32 @!p0 $0x4000, s6;
	s5 =	simm.s32 @!p0 $0x1B8D  }
0xb1: {  	s4 =	sshll.u32 @!p0 s4, $0x11;
	s6 =	sadd.s32 @!p0 $0x11B8D, s6;
	_ =	swait.eq @!p0 [sflag:s5], $0x1  }
0xb2: {  	s4 =	sor.u32 @!p0 s4, s6;
	[sflag:s5] =	ssyncadd.s32 @!p0 $0xFFFFFFFF  }
0xb3: {  	s25 =	simm.s32 $0x1B8E;
	s24 =	sld [smem:$0x3FFE];
	[sflag:s4] =	ssyncadd.remote.s32 @!p0 $0x1  }
0xb4: {  	s26 =	simm.s32 $execute0_lowered;
	[smem:$0x3FD2] =	sst s25  }
0xb5: {  	s5 =	sshll.u32 s26, $0x1;
	_ =	strace $0x80000049;
	[dreg:$0x1] =	wrdreg $0xFFFFFFFF  }
0xb6: {  	s28 =	simm.s32 $_size_execute0_lowered;
	s3 =	sadd.s32 s3, s5;
	[dreg:$0x0] =	wrdreg $0x0  }
0xb7: {  	s5 =	sshll.u32 s28, $0x1;
	[dreg:$0x2] =	wrdreg s3  }
0xb8: {  	[dreg:$0x3] =	wrdreg s5  }
0xb9: {  	[dreg:$0x4] =	wrdreg $0xC0  }
0xba: {  	_ =	task [dreg:s22], $0x5FFFF  }
0xbb: {  	[dreg:$0x1] =	wrdreg $0xFFFFFFFF  }
0xbc: {  	[dreg:$0x0] =	wrdreg $0x60  }
0xbd: {  	[dreg:$0x2] =	wrdreg s24  }
0xbe: {  	[dreg:$0x3] =	wrdreg $0xA  }
0xbf: {  	_ =	task.clear_ibuf [dreg:s22], $0x4FFFF;
	_ =	strace $0x90000049  }
0xc0: {  	s29 =	simm.s32 $0xA;
	_ =	strace $0x8000004B  }
0xc1: {  	_ =	swait.ge [sflag:s29], $0x1  }
0xc2: {  	[sflag:s29] =	ssyncadd.s32 $0xFFFFFFFF  }
0xc3: {  	_ =	strace $0x9000004B  }
0xc4: {  	_ =	sfence  }
0xc5: {  	s30 =	sld [smem:$0x0];
	_ =	sdelay $0x2  }
0xc6: {  	s31 =	sshll.u32 s1, $0xD;
	s1 =	sshrl.u32 s1, $0x2  }
0xc7: {  	s4 =	sand.u32 $0x4000, s31;
	s1 =	sadd.s32 s1, s30  }
0xc8: {  	s0 =	sor.u32 s4, s0;
	s1 =	sshll.u32 s1, $0x11  }
0xc9: {  	s0 =	sor.u32 s1, s0  }
0xca: {  	s0 =	sadd.s32 $0x8F2B, s0  }
0xcb: {  	[sflag:s0] =	ssyncadd.remote.s32 $0x1  }
0xcc: {  	_ =	sfence.sel $0xFFFF  }
0xcd: {  	[dreg:$0x0] =	wrdreg $0xFFFFFFFF;
	(pc) =	sbr.abs _section_cstart, $3  }
0xce: {  	[dreg:$0x1] =	wrdreg $0xFFFFFFFF  }
0xcf: {  	_ =	task.clear_ibuf [dreg:s22], $0x2FFFF;
	_ =	strace $0x9FFFFFFF  }
0xd0: {  	(tm) =	ssettm $0x7FFFFFFF  }
0xd1: {  	_ =	shalt  }
tec
execute0_lowered:
.L_overlay_start_1:
0x0: {  	(tag) =	ssettag $0x1  }
0x1: {  	s0 =	srdreg.scid  }
0x2: {  	s14 =	rddreg [dreg:$0x0];
	s15 =	sand.u32 $0x1, s0  }
0x3: {  	s1 =	stileid.u32;
	s2 =	simm.s32 $0x0;
	s3 =	sshll.u32 s15, $0x6  }
0x4: {  	s0 =	rddreg [dreg:$0x1];
	s4 =	sshll.u32 s1, $0x7;
	s3 =	sadd.s32 s3, s14  }
0x5: {  	[smem:$0x7FF] =	sst s2;
	s3 =	sadd.s32 s4, s3  }
0x6: {  	_ =	strace $0x8000004A;
	s4 =	sadd.s32 $0x1C9600, s3;
	s3 =	simm.s32 $0x2  }
0x7: {  	[tilespmem:s2], [sflag:$0x2] =	stream.linear.gather [hbm4b:s4+s2], $0x200, $0x38;
	[tilespmem:$0x10200] =	vst v63  }
0x8: {  	_ =	swait.ge [sflag:s3], $0x200  }
0x9: {  	s6 =	simm.s32 $0x80;
	[sflag:s3] =	ssyncset.done $0x0  }
0xa: {  	s7 =	simm.s32 $0x200;
	s5 =	sadd.s32 $0x105600, s14;
	[sflag:s3] =	ssyncadd.s32 $0xFFFFFE00  }
0xb: {  	[tilespmem:s7], [sflag:$0x1] =	stream.indirect.gather [hbm4b:s5+s6], $0x80, s2, s6, $0xb8;
	[tilespmem:$0x10200] =	vst v63  }
0xc: {  	s8 =	simm.s32 $0x4200  }
0xd: {  	[tilespmem:s8], [sflag:$0x1] =	stream.indirect.gather [hbm4b:s5+s6], $0x80, s6, s6, $0xb8;
	[tilespmem:$0x10200] =	vst v63  }
0xe: {  	s9 =	simm.s32 $0x100;
	s10 =	simm.s32 $0x8200  }
0xf: {  	[tilespmem:s10], [sflag:$0x1] =	stream.indirect.gather [hbm4b:s5+s6], $0x80, s9, s6, $0xb8;
	[tilespmem:$0x10200] =	vst v63  }
0x10: {  	s11 =	simm.s32 $0x180;
	s12 =	simm.s32 $0xC200;
	s13 =	simm.s32 $0x1  }
0x11: {  	[tilespmem:s12], [sflag:$0x1] =	stream.indirect.gather [hbm4b:s5+s6], $0x80, s11, s6, $0xb8;
	[tilespmem:$0x10200] =	vst v63  }
0x12: {  	_ =	swait.ge [sflag:s13], $0x4000  }
0x13: {  	[sflag:s13] =	ssyncset.done $0x0  }
0x14: {  	[sflag:s13] =	ssyncadd.s32 $0xFFFFC000  }
0x15: {  	_ =	swait.ge [sflag:s13], $0x4000  }
0x16: {  	[sflag:s13] =	ssyncset.done $0x0  }
0x17: {  	s16 =	sshll.u32 s15, $0xD;
	s15 =	ssub.s32 $0x2, s15;
	[sflag:s13] =	ssyncadd.s32 $0xFFFFC000  }
0x18: {  	s31 =	sshrl.u32 s15, $0x1;
	_ =	swait.ge [sflag:s13], $0x4000  }
0x19: {  	s15 =	ssub.s32 s15, s31;
	[sflag:s13] =	ssyncset.done $0x0  }
0x1a: {  	s17 =	sshll.u32 s1, $0xE;
	s15 =	smax.u32 s15, $0x1;
	[sflag:s13] =	ssyncadd.s32 $0xFFFFC000  }
0x1b: {  	s14 =	sadd.s32 s16, s14;
	p0 =	sne.s32 s15, $0x1;
	_ =	swait.ge [sflag:s13], $0x4000  }
.Ltmp0:
0x1c: {  	s14 =	sadd.s32 s17, s14;
	[sflag:s13] =	ssyncset.done $0x0;
	(pc) =	sbr.rel @!p0 .LBB2_2-.Ltmp0, $4  }
0x1d: {  	s14 =	sadd.s32 $0x1C9E00, s14;
	[sflag:s13] =	ssyncadd.s32 $0xFFFFC000  }
0x1e: {  	[hbm4b:s14+s2] =	stream.linear.scatter [tilespmem:s7], [sflag:$0x2], $0x10000, $0x38;
	[tilespmem:$0x10200] =	vst v63  }
0x1f: {  	_ =	swait.ge [sflag:s3], $0x10000  }
0x20: {  	s15 =	sadd.s32 $0xFFFFFFFF, s15;
	[sflag:s3] =	ssyncset.done $0x0  }
.LBB2_1:
0x21: {  	p0 =	sne.s32 s15, $0x1;
	s15 =	sadd.s32 $0xFFFFFFFF, s15;
	[sflag:s3] =	ssyncadd.s32 $0xFFFF0000  }
0x22: {  	[tilespmem:s2], [sflag:$0x2] =	stream.linear.gather [hbm4b:s4+s2], $0x200, $0x38;
	[tilespmem:$0x10200] =	vst v63  }
0x23: {  	_ =	swait.ge [sflag:s3], $0x200  }
0x24: {  	[sflag:s3] =	ssyncset.done $0x0  }
0x25: {  	[sflag:s3] =	ssyncadd.s32 $0xFFFFFE00  }
0x26: {  	[tilespmem:s7], [sflag:$0x1] =	stream.indirect.gather [hbm4b:s5+s6], $0x80, s2, s6, $0xb8;
	[tilespmem:$0x10200] =	vst v63  }
0x27: {  	_ = 	snop  }
0x28: {  	[tilespmem:s8], [sflag:$0x1] =	stream.indirect.gather [hbm4b:s5+s6], $0x80, s6, s6, $0xb8;
	[tilespmem:$0x10200] =	vst v63  }
0x29: {  	_ = 	snop  }
0x2a: {  	[tilespmem:s10], [sflag:$0x1] =	stream.indirect.gather [hbm4b:s5+s6], $0x80, s9, s6, $0xb8;
	[tilespmem:$0x10200] =	vst v63  }
0x2b: {  	_ = 	snop  }
0x2c: {  	[tilespmem:s12], [sflag:$0x1] =	stream.indirect.gather [hbm4b:s5+s6], $0x80, s11, s6, $0xb8;
	[tilespmem:$0x10200] =	vst v63  }
0x2d: {  	_ =	swait.ge [sflag:s13], $0x4000  }
0x2e: {  	[sflag:s13] =	ssyncset.done $0x0  }
0x2f: {  	[sflag:s13] =	ssyncadd.s32 $0xFFFFC000  }
0x30: {  	_ =	swait.ge [sflag:s13], $0x4000  }
0x31: {  	[sflag:s13] =	ssyncset.done $0x0  }
0x32: {  	[sflag:s13] =	ssyncadd.s32 $0xFFFFC000  }
0x33: {  	_ =	swait.ge [sflag:s13], $0x4000  }
0x34: {  	[sflag:s13] =	ssyncset.done $0x0  }
0x35: {  	[sflag:s13] =	ssyncadd.s32 $0xFFFFC000  }
0x36: {  	_ =	swait.ge [sflag:s13], $0x4000  }
.Ltmp1:
0x37: {  	[sflag:s13] =	ssyncset.done $0x0;
	(pc) =	sbr.rel @p0 .LBB2_1-.Ltmp1, $4  }
0x38: {  	[sflag:s13] =	ssyncadd.s32 $0xFFFFC000  }
0x39: {  	[hbm4b:s14+s2] =	stream.linear.scatter [tilespmem:s7], [sflag:$0x2], $0x10000, $0x38;
	[tilespmem:$0x10200] =	vst v63  }
0x3a: {  	_ =	swait.ge [sflag:s3], $0x10000  }
0x3b: {  	[sflag:s3] =	ssyncset.done $0x0  }
.LBB2_2:
0x3c: {  	[sflag:s3] =	ssyncadd.s32 $0xFFFF0000  }
0x3d: {  	_ =	sfence.sel $0x180000  }
0x3e: {  	[bflag:$0x0] =	sbarrier.arrive $0xFFFF  }
0x3f: {  	p0 =	sne.s32 s1, $0x0;
	_ =	strace $0x9000004A  }
0x40: {  	s0 =	sadd.s32 @!p0 $0x100000, s0;
	[bflag:$0x2] =	sbarrier.arrive $0xFFFF  }
0x41: {  	[sflag:s0] =	ssyncadd.tile.s32 @!p0 $0x1;
	_ =	shalt  }
.Lfunc_end2:
_tile_overlayer_lowered:
.L_overlay_start_2:
0x42: {  	(tag) =	ssettag $0x2  }
0x43: {  	s0 =	rddreg [dreg:$0x0];
	s2 =	stileid.u32  }
0x44: {  	s1 =	rddreg [dreg:$0x1];
	p0 =	sne.s32 s2, $0x0  }
0x45: {  	s3 =	rddreg [dreg:$0x2];
	[bflag:$0x3] =	sbarrier.arrive $0xFFFF;
	s2 =	simm.s32 @!p0 $0x1C02  }
0x46: {  	[timem:s3], [sflag:s2] =	dma.local @!p0 [hbm:s0], s1  }
0x47: {  	s0 =	simm.s32 @!p0 $0x2  }
0x48: {  	_ =	swait.ge @!p0 [sflag:s0], s1  }
0x49: {  	s1 =	ssub.s32 @!p0 $0x0, s1;
	[sflag:s0] =	ssyncset.done @!p0 $0x0  }
0x4a: {  	[sflag:s0] =	ssyncadd.s32 @!p0 s1  }
0x4b: {  	[bflag:$0x3] =	sbarrier.arrive $0xFFFF  }
0x4c: {  	_ =	shalt  }

// kernel: kernel.7.cloned.1.call-start
scs
__scs_entry_jumppad:
0x0: {  	(pc) =	sbr.rel $0x88, $3  }
0x1: {  	(tag) =	ssettag $0x0;
	lr =	simm.s32 $0x1  }
0x2: {  	[smem:$0x3F99] =	sst lr;
	_ =	strace $0xD0000000  }
0x3: {  	_ = 	snop  }
0x4: {  	_ = 	snop  }
0x5: {  	_ = 	snop  }
0x6: {  	_ = 	snop  }
0x7: {  	_ = 	snop  }
__scs_overlays_trampoline_lowered:
0x8: {  	[smem:$0x3FA8] =	sst s0  }
0x9: {  	[smem:$0x3FA9] =	sst s1  }
0xa: {  	[smem:$0x3FAA] =	sst s2  }
0xb: {  	[smem:$0x3FAB] =	sst s3  }
0xc: {  	[smem:$0x3FAC] =	sst s4  }
0xd: {  	[smem:$0x3FAD] =	sst s5  }
0xe: {  	[smem:$0x3FAE] =	sst s6  }
0xf: {  	[smem:$0x3FAF] =	sst s7  }
0x10: {  	[smem:$0x3FB0] =	sst s8  }
0x11: {  	[smem:$0x3FB1] =	sst s9;
	s0 =	simm.s32 @!p0 $0x0  }
0x12: {  	s1 =	sld [smem:$0x3F97];
	s0 =	simm.s32 @p0 $0x1  }
0x13: {  	[smem:$0x3FB2] =	sst s0;
	s0 =	simm.s32 @!p1 $0x0  }
0x14: {  	s2 =	sld [smem:$0x3F96];
	s0 =	simm.s32 @p1 $0x1  }
0x15: {  	[smem:$0x3FB3] =	sst s0;
	s0 =	simm.s32 @!p2 $0x0  }
0x16: {  	s3 =	sld [smem:$0x3FDB];
	s0 =	simm.s32 @p2 $0x1  }
0x17: {  	s4 =	simm.s32 $0x1BF5;
	[smem:$0x3FB5] =	sst s0  }
0x18: {  	s0 =	sld [smem:$0x3F98];
	_ =	swait.ge [sflag:s4], $0x0  }
0x19: {  	s7 =	sld [smem:$0x3F99]  }
0x1a: {  	s8 =	sadd.s32 $0xFFFFE003, lr  }
0x1b: {  	s9 =	sadd.s32 $0xFFFFFEF7, lr;
	s5 =	simm.s32 $0xFFFFFFFF;
	p2 =	slt.u32 s8, $0xFFFFF086  }
0x1c: {  	p1 =	slt.u32 s9, $0xF7A;
	s5 =	simm.s32 @!p2 $0x0  }
0x1d: {  	s5 =	simm.s32 @p1 $0x1;
	p0 =	seq.s32 s7, s2  }
0x1e: {  	s7 =	smul.u32 @!p0 $0xF7A, s2;
	p2 =	seq.s32 @!p0 s5, $0x0  }
0x1f: {  	s9 =	smul.u32 $0xF7A, s1;
	s8 =	simm.s32 @!p0 $0x1BF5;
	p2 =	por !p2, p0  }
0x20: {  	[sflag:s8] =	ssyncset.s32 @!p0 $0xFFFFF086;
	s6 =	sadd.s32 @!p0 s3, s7;
	s7 =	simm.s32 @!p0 $0x108  }
0x21: {  	s3 =	sadd.s32 s3, s9;
	s6 =	sadd.s32 @!p0 $0x88, s6;
	s7 =	simm.s32 @p2 $0x1082  }
0x22: {  	[simem:s7], [sflag:s8] =	dma.local @!p0 [hbm:s6], $0xF7A  }
0x23: {  	s9 =	sor.u32 $0xD0000000, s2;
	s6 =	simm.s32 $0x108;
	_ =	swait.ge @!p0 [sflag:s8], $0x0  }
0x24: {  	s3 =	sadd.s32 $0x88, s3;
	s6 =	simm.s32 @!p1 $0x1082;
	[sflag:s4] =	ssyncset.s32 $0xFFFFF086  }
0x25: {  	[simem:s6], [sflag:s4] =	dma.local [hbm:s3], $0xF7A  }
0x26: {  	[smem:$0x3F99] =	sst s1;
	(tag) =	ssettag s2;
	_ =	strace s9  }
0x27: {  	s1 =	sld [smem:$0x3FA9]  }
0x28: {  	s2 =	sld [smem:$0x3FAA]  }
0x29: {  	s4 =	sld [smem:$0x3FAC]  }
0x2a: {  	p0 =	seq.s32 s5, $0x0;
	s5 =	sld [smem:$0x3FAD]  }
0x2b: {  	s6 =	sld [smem:$0x3FAE]  }
0x2c: {  	s7 =	sld [smem:$0x3FAF]  }
0x2d: {  	s3 =	simm.s32 $0x108;
	s8 =	sld [smem:$0x3FB0]  }
0x2e: {  	s3 =	simm.s32 @!p0 $0x1082;
	s9 =	sld [smem:$0x3FB1]  }
0x2f: {  	lr =	sadd.s32 s0, s3;
	s0 =	sld [smem:$0x3FA8]  }
0x30: {  	s3 =	sld [smem:$0x3FAB]  }
0x31: {  	[smem:$0x3FB4] =	sst s10  }
0x32: {  	s10 =	sld [smem:$0x3FB2];
	_ =	sdelay $0x3  }
0x33: {  	p0 =	seq.s32 s10, $0x1;
	s10 =	sld [smem:$0x3FB4];
	_ =	sdelay $0x3  }
0x34: {  	[smem:$0x3FB4] =	sst s10  }
0x35: {  	s10 =	sld [smem:$0x3FB3];
	_ =	sdelay $0x3  }
0x36: {  	p1 =	seq.s32 s10, $0x1;
	s10 =	sld [smem:$0x3FB4];
	_ =	sdelay $0x3  }
0x37: {  	[smem:$0x3FB4] =	sst s10  }
0x38: {  	s10 =	sld [smem:$0x3FB5]  }
0x39: {  	_ = 	snop;
	(pc) =	sbr.ind lr, $3  }
0x3a: {  	_ = 	snop  }
0x3b: {  	_ = 	snop  }
0x3c: {  	p2 =	seq.s32 s10, $0x1;
	s10 =	sld [smem:$0x3FB4]  }
0x3d: {  	_ =	shalt  }
0x3e: {  	_ =	shalt  }
0x3f: {  	_ =	shalt  }
0x40: {  	_ =	shalt  }
0x41: {  	_ =	shalt  }
0x42: {  	_ =	shalt  }
0x43: {  	_ =	shalt  }
0x44: {  	_ =	shalt  }
0x45: {  	_ =	shalt  }
0x46: {  	_ =	shalt  }
0x47: {  	_ =	shalt  }
0x48: {  	_ =	shalt  }
0x49: {  	_ =	shalt  }
0x4a: {  	_ =	shalt  }
0x4b: {  	_ =	shalt  }
0x4c: {  	_ =	shalt  }
0x4d: {  	_ =	shalt  }
0x4e: {  	_ =	shalt  }
0x4f: {  	_ =	shalt  }
0x50: {  	_ =	shalt  }
0x51: {  	_ =	shalt  }
0x52: {  	_ =	shalt  }
0x53: {  	_ =	shalt  }
0x54: {  	_ =	shalt  }
0x55: {  	_ =	shalt  }
0x56: {  	_ =	shalt  }
0x57: {  	_ =	shalt  }
0x58: {  	_ =	shalt  }
0x59: {  	_ =	shalt  }
0x5a: {  	_ =	shalt  }
0x5b: {  	_ =	shalt  }
0x5c: {  	_ =	shalt  }
0x5d: {  	_ =	shalt  }
0x5e: {  	_ =	shalt  }
0x5f: {  	_ =	shalt  }
0x60: {  	_ =	shalt  }
0x61: {  	_ =	shalt  }
0x62: {  	_ =	shalt  }
0x63: {  	_ =	shalt  }
0x64: {  	_ =	shalt  }
0x65: {  	_ =	shalt  }
0x66: {  	_ =	shalt  }
0x67: {  	_ =	shalt  }
0x68: {  	_ =	shalt  }
0x69: {  	_ =	shalt  }
0x6a: {  	_ =	shalt  }
0x6b: {  	_ =	shalt  }
0x6c: {  	_ =	shalt  }
0x6d: {  	_ =	shalt  }
0x6e: {  	_ =	shalt  }
0x6f: {  	_ =	shalt  }
0x70: {  	_ =	shalt  }
0x71: {  	_ =	shalt  }
0x72: {  	_ =	shalt  }
0x73: {  	_ =	shalt  }
0x74: {  	_ =	shalt  }
0x75: {  	_ =	shalt  }
0x76: {  	_ =	shalt  }
0x77: {  	_ =	shalt  }
0x78: {  	_ =	shalt  }
0x79: {  	_ =	shalt  }
0x7a: {  	_ =	shalt  }
0x7b: {  	_ =	shalt  }
0x7c: {  	_ =	shalt  }
0x7d: {  	_ =	shalt  }
0x7e: {  	_ =	shalt  }
0x7f: {  	_ =	shalt  }
0x80: {  	_ =	shalt  }
0x81: {  	_ =	shalt  }
0x82: {  	_ =	shalt  }
0x83: {  	_ =	shalt  }
0x84: {  	_ =	shalt  }
0x85: {  	_ =	shalt  }
0x86: {  	_ =	shalt  }
0x87: {  	_ =	shalt  }
.Lfunc_end0:
.L_simem_size_0:
called_computation_lowered:
.L_overlay_start_0:
0x88: {  	s2 =	sld [smem:$0x3FD9]  }
0x89: {  	s3 =	sld [smem:$0x3FFE];
	_ =	sdelay $0x1  }
0x8a: {  	s1 =	srdreg.scid  }
0x8b: {  	s0 =	sand.u32 $0x1, s1  }
0x8c: {  	s17 =	sshll.u32 s0, $0xA;
	s2 =	sadd.s32 s3, s2  }
0x8d: {  	s2 =	sadd.s32 s2, s17  }
0x8e: {  	[smem:$0x3FC0] =	sst s2  }
0x8f: {  	_ = 	snop  }
0x90: {  	s2 =	sld [smem:$0x3FD0];
	(tm) =	ssettm $0x1  }
0x91: {  	s18 =	sld [smem:$0x3FFB];
	_ =	sdelay $0x3  }
0x92: {  	_ =	strace s18  }
0x93: {  	s3 =	sld [smem:$0x3FFC];
	_ =	sdelay $0x3  }
0x94: {  	_ =	strace s3  }
0x95: {  	s3 =	sld [smem:$0x3FFD];
	_ =	sdelay $0x3  }
0x96: {  	_ =	strace s3  }
0x97: {  	_ =	strace $0x8FFFFFFF  }
0x98: {  	s19 =	sld [smem:$0x3FDB];
	_ =	sdelay $0x1  }
0x99: {  	s4 =	simm.s32 $_scs_section_size  }
0x9a: {  	s5 =	simm.s32 $_size__tile_overlayer_lowered;
	s6 =	simm.s32 $_tile_overlayer_lowered  }
0x9b: {  	s22 =	simm.s32 $0x1BFF;
	s21 =	sshll.u32 s6, $0x1;
	s3 =	sadd.s32 s4, s19  }
0x9c: {  	s7 =	simm.s32 $0x0;
	s20 =	sshll.u32 s5, $0x1;
	s5 =	sadd.s32 s21, s3  }
0x9d: {  	[timem:s7], [sflag:s22] =	dma.local [hbm:s5], s20  }
0x9e: {  	_ =	swait.ge [sflag:s22], s20  }
0x9f: {  	s4 =	ssub.s32 $0x0, s20;
	[sflag:s22] =	ssyncset.done $0x0  }
0xa0: {  	[sflag:s22] =	ssyncadd.s32 s4;
	_ =	sdelay $0x1  }
0xa1: {  	s23 =	simm.s32 $0x1B8B  }
0xa2: {  	_ =	swait.ge [sflag:s23], $0x1  }
0xa3: {  	[sflag:s23] =	ssyncset.done $0x0  }
0xa4: {  	s25 =	simm.s32 $0x1B8E;
	s24 =	sld [smem:$0x3FFE];
	[sflag:s23] =	ssyncadd.s32 $0xFFFFFFFF  }
0xa5: {  	s26 =	simm.s32 $execute0_lowered;
	[smem:$0x3FD2] =	sst s25  }
0xa6: {  	s5 =	sshll.u32 s26, $0x1;
	_ =	strace $0x80000046;
	[dreg:$0x1] =	wrdreg $0xFFFFFFFF  }
0xa7: {  	s28 =	simm.s32 $_size_execute0_lowered;
	s3 =	sadd.s32 s3, s5;
	[dreg:$0x0] =	wrdreg $0x0  }
0xa8: {  	s5 =	sshll.u32 s28, $0x1;
	[dreg:$0x2] =	wrdreg s3  }
0xa9: {  	[dreg:$0x3] =	wrdreg s5  }
0xaa: {  	[dreg:$0x4] =	wrdreg $0xC0  }
0xab: {  	_ =	task [dreg:s7], $0x5FFFF  }
0xac: {  	[dreg:$0x1] =	wrdreg $0xFFFFFFFF  }
0xad: {  	[dreg:$0x0] =	wrdreg $0x60  }
0xae: {  	[dreg:$0x2] =	wrdreg s24  }
0xaf: {  	[dreg:$0x3] =	wrdreg s2  }
0xb0: {  	[dreg:$0x4] =	wrdreg $0x9  }
0xb1: {  	_ =	task.clear_ibuf [dreg:s7], $0x5FFFF;
	_ =	strace $0x90000046  }
0xb2: {  	s29 =	simm.s32 $0x9;
	_ =	strace $0x80000048  }
0xb3: {  	_ =	swait.ge [sflag:s29], $0x1  }
0xb4: {  	[sflag:s29] =	ssyncadd.s32 $0xFFFFFFFF  }
0xb5: {  	_ =	strace $0x90000048  }
0xb6: {  	_ =	sfence  }
0xb7: {  	s30 =	sld [smem:$0x0];
	_ =	sdelay $0x2  }
0xb8: {  	s31 =	sshll.u32 s1, $0xD;
	s1 =	sshrl.u32 s1, $0x2  }
0xb9: {  	s3 =	sand.u32 $0x4000, s31;
	s1 =	sadd.s32 s1, s30  }
0xba: {  	s0 =	sor.u32 s3, s0;
	s1 =	sshll.u32 s1, $0x11  }
0xbb: {  	s0 =	sor.u32 s1, s0  }
0xbc: {  	s0 =	sadd.s32 $0x8F2B, s0  }
0xbd: {  	[sflag:s0] =	ssyncadd.remote.s32 $0x1  }
0xbe: {  	_ =	sfence.sel $0xFFFF  }
0xbf: {  	[dreg:$0x0] =	wrdreg $0xFFFFFFFF;
	(pc) =	sbr.abs _section_cstart, $3  }
0xc0: {  	[dreg:$0x1] =	wrdreg $0xFFFFFFFF  }
0xc1: {  	_ =	task.clear_ibuf [dreg:s7], $0x2FFFF;
	_ =	strace $0x9FFFFFFF  }
0xc2: {  	(tm) =	ssettm $0x7FFFFFFF  }
0xc3: {  	_ =	shalt  }
tec
execute0_lowered:
.L_overlay_start_1:
0x0: {  	(tag) =	ssettag $0x1  }
0x1: {  	s14 =	rddreg [dreg:$0x0]  }
0x2: {  	s3 =	rddreg [dreg:$0x1];
	s1 =	srdreg.scid  }
0x3: {  	s0 =	rddreg [dreg:$0x2];
	s15 =	sand.u32 $0x1, s1  }
0x4: {  	s2 =	simm.s32 $0x0;
	s1 =	stileid.u32;
	s4 =	sshll.u32 s15, $0x6  }
0x5: {  	[smem:$0x7FF] =	sst s2;
	s5 =	sshll.u32 s1, $0x7;
	s3 =	sadd.s32 s3, s4  }
0x6: {  	_ =	strace $0x80000047;
	s4 =	sadd.s32 s5, s3;
	s3 =	simm.s32 $0x2  }
0x7: {  	[tilespmem:s2], [sflag:$0x2] =	stream.linear.gather [hbm4b:s4+s2], $0x200, $0x38;
	[tilespmem:$0x10200] =	vst v63  }
0x8: {  	_ =	swait.ge [sflag:s3], $0x200  }
0x9: {  	s6 =	simm.s32 $0x80;
	[sflag:s3] =	ssyncset.done $0x0  }
0xa: {  	s7 =	simm.s32 $0x200;
	s5 =	sadd.s32 $0x1600, s14;
	[sflag:s3] =	ssyncadd.s32 $0xFFFFFE00  }
0xb: {  	[tilespmem:s7], [sflag:$0x1] =	stream.indirect.gather [hbm4b:s5+s6], $0x80, s2, s6, $0xb8;
	[tilespmem:$0x10200] =	vst v63  }
0xc: {  	s8 =	simm.s32 $0x4200  }
0xd: {  	[tilespmem:s8], [sflag:$0x1] =	stream.indirect.gather [hbm4b:s5+s6], $0x80, s6, s6, $0xb8;
	[tilespmem:$0x10200] =	vst v63  }
0xe: {  	s9 =	simm.s32 $0x100;
	s10 =	simm.s32 $0x8200  }
0xf: {  	[tilespmem:s10], [sflag:$0x1] =	stream.indirect.gather [hbm4b:s5+s6], $0x80, s9, s6, $0xb8;
	[tilespmem:$0x10200] =	vst v63  }
0x10: {  	s11 =	simm.s32 $0x180;
	s12 =	simm.s32 $0xC200;
	s13 =	simm.s32 $0x1  }
0x11: {  	[tilespmem:s12], [sflag:$0x1] =	stream.indirect.gather [hbm4b:s5+s6], $0x80, s11, s6, $0xb8;
	[tilespmem:$0x10200] =	vst v63  }
0x12: {  	_ =	swait.ge [sflag:s13], $0x4000  }
0x13: {  	[sflag:s13] =	ssyncset.done $0x0  }
0x14: {  	[sflag:s13] =	ssyncadd.s32 $0xFFFFC000  }
0x15: {  	_ =	swait.ge [sflag:s13], $0x4000  }
0x16: {  	[sflag:s13] =	ssyncset.done $0x0  }
0x17: {  	s16 =	sshll.u32 s15, $0xD;
	s15 =	ssub.s32 $0x2, s15;
	[sflag:s13] =	ssyncadd.s32 $0xFFFFC000  }
0x18: {  	s31 =	sshrl.u32 s15, $0x1;
	_ =	swait.ge [sflag:s13], $0x4000  }
0x19: {  	s15 =	ssub.s32 s15, s31;
	[sflag:s13] =	ssyncset.done $0x0  }
0x1a: {  	s17 =	sshll.u32 s1, $0xE;
	s15 =	smax.u32 s15, $0x1;
	[sflag:s13] =	ssyncadd.s32 $0xFFFFC000  }
0x1b: {  	s14 =	sadd.s32 s16, s14;
	p0 =	sne.s32 s15, $0x1;
	_ =	swait.ge [sflag:s13], $0x4000  }
.Ltmp0:
0x1c: {  	s14 =	sadd.s32 s17, s14;
	[sflag:s13] =	ssyncset.done $0x0;
	(pc) =	sbr.rel @!p0 .LBB2_2-.Ltmp0, $4  }
0x1d: {  	s14 =	sadd.s32 $0xC5600, s14;
	[sflag:s13] =	ssyncadd.s32 $0xFFFFC000  }
0x1e: {  	[hbm4b:s14+s2] =	stream.linear.scatter [tilespmem:s7], [sflag:$0x2], $0x10000, $0x38;
	[tilespmem:$0x10200] =	vst v63  }
0x1f: {  	_ =	swait.ge [sflag:s3], $0x10000  }
0x20: {  	s15 =	sadd.s32 $0xFFFFFFFF, s15;
	[sflag:s3] =	ssyncset.done $0x0  }
.LBB2_1:
0x21: {  	p0 =	sne.s32 s15, $0x1;
	s15 =	sadd.s32 $0xFFFFFFFF, s15;
	[sflag:s3] =	ssyncadd.s32 $0xFFFF0000  }
0x22: {  	[tilespmem:s2], [sflag:$0x2] =	stream.linear.gather [hbm4b:s4+s2], $0x200, $0x38;
	[tilespmem:$0x10200] =	vst v63  }
0x23: {  	_ =	swait.ge [sflag:s3], $0x200  }
0x24: {  	[sflag:s3] =	ssyncset.done $0x0  }
0x25: {  	[sflag:s3] =	ssyncadd.s32 $0xFFFFFE00  }
0x26: {  	[tilespmem:s7], [sflag:$0x1] =	stream.indirect.gather [hbm4b:s5+s6], $0x80, s2, s6, $0xb8;
	[tilespmem:$0x10200] =	vst v63  }
0x27: {  	_ = 	snop  }
0x28: {  	[tilespmem:s8], [sflag:$0x1] =	stream.indirect.gather [hbm4b:s5+s6], $0x80, s6, s6, $0xb8;
	[tilespmem:$0x10200] =	vst v63  }
0x29: {  	_ = 	snop  }
0x2a: {  	[tilespmem:s10], [sflag:$0x1] =	stream.indirect.gather [hbm4b:s5+s6], $0x80, s9, s6, $0xb8;
	[tilespmem:$0x10200] =	vst v63  }
0x2b: {  	_ = 	snop  }
0x2c: {  	[tilespmem:s12], [sflag:$0x1] =	stream.indirect.gather [hbm4b:s5+s6], $0x80, s11, s6, $0xb8;
	[tilespmem:$0x10200] =	vst v63  }
0x2d: {  	_ =	swait.ge [sflag:s13], $0x4000  }
0x2e: {  	[sflag:s13] =	ssyncset.done $0x0  }
0x2f: {  	[sflag:s13] =	ssyncadd.s32 $0xFFFFC000  }
0x30: {  	_ =	swait.ge [sflag:s13], $0x4000  }
0x31: {  	[sflag:s13] =	ssyncset.done $0x0  }
0x32: {  	[sflag:s13] =	ssyncadd.s32 $0xFFFFC000  }
0x33: {  	_ =	swait.ge [sflag:s13], $0x4000  }
0x34: {  	[sflag:s13] =	ssyncset.done $0x0  }
0x35: {  	[sflag:s13] =	ssyncadd.s32 $0xFFFFC000  }
0x36: {  	_ =	swait.ge [sflag:s13], $0x4000  }
.Ltmp1:
0x37: {  	[sflag:s13] =	ssyncset.done $0x0;
	(pc) =	sbr.rel @p0 .LBB2_1-.Ltmp1, $4  }
0x38: {  	[sflag:s13] =	ssyncadd.s32 $0xFFFFC000  }
0x39: {  	[hbm4b:s14+s2] =	stream.linear.scatter [tilespmem:s7], [sflag:$0x2], $0x10000, $0x38;
	[tilespmem:$0x10200] =	vst v63  }
0x3a: {  	_ =	swait.ge [sflag:s3], $0x10000  }
0x3b: {  	[sflag:s3] =	ssyncset.done $0x0  }
.LBB2_2:
0x3c: {  	[sflag:s3] =	ssyncadd.s32 $0xFFFF0000  }
0x3d: {  	_ =	sfence.sel $0x180000  }
0x3e: {  	[bflag:$0x0] =	sbarrier.arrive $0xFFFF  }
0x3f: {  	p0 =	sne.s32 s1, $0x0;
	_ =	strace $0x90000047  }
0x40: {  	s0 =	sadd.s32 @!p0 $0x100000, s0;
	[bflag:$0x2] =	sbarrier.arrive $0xFFFF  }
0x41: {  	[sflag:s0] =	ssyncadd.tile.s32 @!p0 $0x1;
	_ =	shalt  }
.Lfunc_end2:
_tile_overlayer_lowered:
.L_overlay_start_2:
0x42: {  	(tag) =	ssettag $0x2  }
0x43: {  	s0 =	rddreg [dreg:$0x0];
	s2 =	stileid.u32  }
0x44: {  	s1 =	rddreg [dreg:$0x1];
	p0 =	sne.s32 s2, $0x0  }
0x45: {  	s3 =	rddreg [dreg:$0x2];
	[bflag:$0x3] =	sbarrier.arrive $0xFFFF;
	s2 =	simm.s32 @!p0 $0x1C02  }
0x46: {  	[timem:s3], [sflag:s2] =	dma.local @!p0 [hbm:s0], s1  }
0x47: {  	s0 =	simm.s32 @!p0 $0x2  }
0x48: {  	_ =	swait.ge @!p0 [sflag:s0], s1  }
0x49: {  	s1 =	ssub.s32 @!p0 $0x0, s1;
	[sflag:s0] =	ssyncset.done @!p0 $0x0  }
0x4a: {  	[sflag:s0] =	ssyncadd.s32 @!p0 s1  }
0x4b: {  	[bflag:$0x3] =	sbarrier.arrive $0xFFFF  }
0x4c: {  	_ =	shalt  }

</sc_bundles>
